<compile_context>
chip_gen: v7x
topology: tpu7x:2x2x1
jax: 0.10.2.dev20260603
libtpu: 0.0.44.dev20260713+nightly
codegen_flags: <defaults>
</compile_context>

<pallas_src>
import jax
import jax.numpy as jnp
from jax.experimental import pallas as pl
from jax.experimental.pallas import tpu as pltpu

_L, _B, _H, _S = 12, 4, 12, 197
_BH = _B * _H
_G = 8
_K = 6
_KPAD = 8


def _chain_topk_body(x_ref, attn_ref, idx_ref):
    ms = [x_ref[0, g] for g in range(_G)]
    for layer in range(1, _L - 1):
        xl = x_ref[layer]
        for g in range(_G):
            ms[g] = jax.lax.dot_general(
                xl[g], ms[g],
                (((1,), (0,)), ((), ())),
                preferred_element_type=jnp.float32).astype(jnp.bfloat16)
    rows = []
    for g in range(_G):
        v = jax.lax.dot_general(
            x_ref[_L - 1, g, 0:1, :], ms[g],
            (((1,), (0,)), ((), ())),
            preferred_element_type=jnp.float32)
        rows.append(v)
    vals = jnp.concatenate(rows, axis=0)

    lane = jax.lax.broadcasted_iota(jnp.int32, (_G, _S), 1)
    big = jnp.int32(10 ** 9)
    neg = jnp.float32(-jnp.inf)
    vals = jnp.where(lane == 0, neg, vals)

    lane8 = jax.lax.broadcasted_iota(jnp.int32, (_G, _KPAD), 1)
    attn_v = jnp.zeros((_G, _KPAD), jnp.float32)
    idx_v = jnp.zeros((_G, _KPAD), jnp.int32)
    for step in range(_K):
        m = jnp.max(vals, axis=1, keepdims=True)
        hit = vals == m
        idx = jnp.min(jnp.where(hit, lane, big), axis=1, keepdims=True)
        attn_v = jnp.where(lane8 == step, m, attn_v)
        idx_v = jnp.where(lane8 == step, idx - 1, idx_v)
        vals = jnp.where(lane == idx, neg, vals)
    attn_ref[0] = attn_v
    idx_ref[0] = idx_v


def _run_chain_topk(xr, interpret=False):
    nsteps = _BH // _G
    return pl.pallas_call(
        _chain_topk_body,
        grid=(nsteps,),
        in_specs=[
            pl.BlockSpec((_L, _G, _S, _S), lambda i: (0, i, 0, 0)),
        ],
        out_specs=[
            pl.BlockSpec((1, _G, _KPAD), lambda i: (i, 0, 0)),
            pl.BlockSpec((1, _G, _KPAD), lambda i: (i, 0, 0)),
        ],
        out_shape=[
            jax.ShapeDtypeStruct((nsteps, _G, _KPAD), jnp.float32),
            jax.ShapeDtypeStruct((nsteps, _G, _KPAD), jnp.int32),
        ],
        interpret=interpret,
    )(xr)


def kernel(x, k):
    xt = jnp.transpose(x.astype(jnp.bfloat16), (0, 2, 1, 3, 4))
    xr = xt.reshape(_L, _BH, _S, _S)
    attn, idx = _run_chain_topk(xr)
    attn_hb = attn.reshape(_H, _B, _KPAD)[:, :, :_K]
    idx_hb = idx.reshape(_H, _B, _KPAD)[:, :, :_K]
    max_attn = jnp.transpose(attn_hb, (1, 0, 2)).reshape(_B, _H * _K)
    max_inx = jnp.transpose(idx_hb, (1, 0, 2)).reshape(_B, _H * _K)
    k_zero = jnp.asarray(k) - jnp.asarray(k)
    max_attn = max_attn + k_zero.astype(max_attn.dtype)
    max_inx = max_inx + k_zero.astype(max_inx.dtype)
    return (max_attn, max_inx)

# --- scband reference (transcript-rebuilt; emitter-appended) ---
"""Pipeline reference for scband-part-attention-5815385719333 (READ-ONLY COPY).

The authoritative reference and input builder live on the scoring server;
editing this copy changes nothing except your own understanding.
"""

import jax, jax.numpy as jnp
import numpy as np

L, B, H, S = 12, 4, 12, 197

def setup_inputs(seed: int = 0) -> dict:
    key = jax.random.key(seed)
    x = jax.random.normal(key, (L, B, H, S, S), dtype=jnp.float32)
    return {"x": x, "k": 6}

def reference(x, k):
    # x behaves like a list of attention maps: x[i] is [B, H, S, S]
    last_map = x[0]
    for i in range(1, x.shape[0]):
        last_map = jnp.matmul(x[i], last_map)
    last_map = last_map[:, :, 0, 1:]  # [B, H, S-1]
    # torch: sort descending then take top-k slice == top_k
    max_attn, max_inx = jax.lax.top_k(last_map, 6)  # [B, H, k]
    k_zero = jnp.asarray(k) - jnp.asarray(k)
    max_attn = max_attn + k_zero.astype(max_attn.dtype)
    max_inx = max_inx + k_zero.astype(max_inx.dtype)
    max_inx = max_inx.reshape(last_map.shape[0], -1)
    max_attn = max_attn.reshape(last_map.shape[0], -1)
    return (max_attn, max_inx)

if __name__ == "__main__":
    import jax
    _d = setup_inputs()
    print(jax.jit(kernel)(*tuple(_d.values())))

</pallas_src>

<mosaic_0001>
module attributes {stable_mosaic.version = 14 : i64} {
  func.func @_chain_topk_body(%arg0: i32, %arg1: memref<12x8x197x197xbf16, #tpu.memory_space<vmem>>, %arg2: memref<1x8x8xf32, #tpu.memory_space<vmem>>, %arg3: memref<1x8x8xi32, #tpu.memory_space<vmem>>) attributes {dimension_semantics = [#tpu.dimension_semantics<arbitrary>], iteration_bounds = array<i64: 6>, scalar_prefetch = 0 : i64, scratch_operands = 0 : i64, tpu.core_type = #tpu.core_type<tc>, window_params = [{transform_indices = @transform_0, window_bounds = array<i64: 12, 8, 197, 197>}, {transform_indices = @transform_1, window_bounds = array<i64: 1, 8, 8>}, {transform_indices = @transform_2, window_bounds = array<i64: 1, 8, 8>}]} {
    %get3A = arith.constant 0 : index
    %get3A_0 = arith.constant 0 : index
    %get3A_1 = arith.constant 0 : index
    %get3A_2 = arith.constant 0 : index
    %get3A_3 = vector.load %arg1[%get3A, %get3A_0, %get3A_1, %get3A_2] : memref<12x8x197x197xbf16, #tpu.memory_space<vmem>>, vector<1x1x197x197xbf16>
    %get3A_4 = vector.shape_cast %get3A_3 : vector<1x1x197x197xbf16> to vector<197x197xbf16>
    %get3A_5 = arith.constant 0 : index
    %get3A_6 = arith.constant 1 : index
    %get3A_7 = arith.constant 0 : index
    %get3A_8 = arith.constant 0 : index
    %get3A_9 = vector.load %arg1[%get3A_5, %get3A_6, %get3A_7, %get3A_8] : memref<12x8x197x197xbf16, #tpu.memory_space<vmem>>, vector<1x1x197x197xbf16>
    %get3A_10 = vector.shape_cast %get3A_9 : vector<1x1x197x197xbf16> to vector<197x197xbf16>
    %get3A_11 = arith.constant 0 : index
    %get3A_12 = arith.constant 2 : index
    %get3A_13 = arith.constant 0 : index
    %get3A_14 = arith.constant 0 : index
    %get3A_15 = vector.load %arg1[%get3A_11, %get3A_12, %get3A_13, %get3A_14] : memref<12x8x197x197xbf16, #tpu.memory_space<vmem>>, vector<1x1x197x197xbf16>
    %get3A_16 = vector.shape_cast %get3A_15 : vector<1x1x197x197xbf16> to vector<197x197xbf16>
    %get3A_17 = arith.constant 0 : index
    %get3A_18 = arith.constant 3 : index
    %get3A_19 = arith.constant 0 : index
    %get3A_20 = arith.constant 0 : index
    %get3A_21 = vector.load %arg1[%get3A_17, %get3A_18, %get3A_19, %get3A_20] : memref<12x8x197x197xbf16, #tpu.memory_space<vmem>>, vector<1x1x197x197xbf16>
    %get3A_22 = vector.shape_cast %get3A_21 : vector<1x1x197x197xbf16> to vector<197x197xbf16>
    %get3A_23 = arith.constant 0 : index
    %get3A_24 = arith.constant 4 : index
    %get3A_25 = arith.constant 0 : index
    %get3A_26 = arith.constant 0 : index
    %get3A_27 = vector.load %arg1[%get3A_23, %get3A_24, %get3A_25, %get3A_26] : memref<12x8x197x197xbf16, #tpu.memory_space<vmem>>, vector<1x1x197x197xbf16>
    %get3A_28 = vector.shape_cast %get3A_27 : vector<1x1x197x197xbf16> to vector<197x197xbf16>
    %get3A_29 = arith.constant 0 : index
    %get3A_30 = arith.constant 5 : index
    %get3A_31 = arith.constant 0 : index
    %get3A_32 = arith.constant 0 : index
    %get3A_33 = vector.load %arg1[%get3A_29, %get3A_30, %get3A_31, %get3A_32] : memref<12x8x197x197xbf16, #tpu.memory_space<vmem>>, vector<1x1x197x197xbf16>
    %get3A_34 = vector.shape_cast %get3A_33 : vector<1x1x197x197xbf16> to vector<197x197xbf16>
    %get3A_35 = arith.constant 0 : index
    %get3A_36 = arith.constant 6 : index
    %get3A_37 = arith.constant 0 : index
    %get3A_38 = arith.constant 0 : index
    %get3A_39 = vector.load %arg1[%get3A_35, %get3A_36, %get3A_37, %get3A_38] : memref<12x8x197x197xbf16, #tpu.memory_space<vmem>>, vector<1x1x197x197xbf16>
    %get3A_40 = vector.shape_cast %get3A_39 : vector<1x1x197x197xbf16> to vector<197x197xbf16>
    %get3A_41 = arith.constant 0 : index
    %get3A_42 = arith.constant 7 : index
    %get3A_43 = arith.constant 0 : index
    %get3A_44 = arith.constant 0 : index
    %get3A_45 = vector.load %arg1[%get3A_41, %get3A_42, %get3A_43, %get3A_44] : memref<12x8x197x197xbf16, #tpu.memory_space<vmem>>, vector<1x1x197x197xbf16>
    %get3A_46 = vector.shape_cast %get3A_45 : vector<1x1x197x197xbf16> to vector<197x197xbf16>
    %get3A_47 = arith.constant 1 : index
    %get3A_48 = arith.constant 0 : index
    %get3A_49 = arith.constant 0 : index
    %get3A_50 = arith.constant 0 : index
    %get3A_51 = vector.load %arg1[%get3A_47, %get3A_48, %get3A_49, %get3A_50] : memref<12x8x197x197xbf16, #tpu.memory_space<vmem>>, vector<1x8x197x197xbf16>
    %get3A_52 = vector.shape_cast %get3A_51 : vector<1x8x197x197xbf16> to vector<8x197x197xbf16>
    %slice3A = vector.extract_strided_slice %get3A_52 {offsets = [0, 0, 0], sizes = [1, 197, 197], strides = [1, 1, 1]} : vector<8x197x197xbf16> to vector<1x197x197xbf16>
    %squeeze3A = vector.shape_cast %slice3A : vector<1x197x197xbf16> to vector<197x197xbf16>
    %dot_general3A = arith.constant dense<0.000000e+00> : vector<197x197xf32>
    %dot_general3A_53 = tpu.matmul %squeeze3A, %get3A_4, %dot_general3A {dimension_numbers = #tpu.dot_dimension_numbers<[1], [0], [0], [1], [0, 0, 1, 1], [], []>, transpose_lhs_hint = false} : vector<197x197xbf16>, vector<197x197xbf16>, vector<197x197xf32> -> vector<197x197xf32>
    %convert_element_type3A = arith.truncf %dot_general3A_53 : vector<197x197xf32> to vector<197x197xbf16>
    %slice3A_54 = vector.extract_strided_slice %get3A_52 {offsets = [1, 0, 0], sizes = [1, 197, 197], strides = [1, 1, 1]} : vector<8x197x197xbf16> to vector<1x197x197xbf16>
    %squeeze3A_55 = vector.shape_cast %slice3A_54 : vector<1x197x197xbf16> to vector<197x197xbf16>
    %dot_general3A_56 = arith.constant dense<0.000000e+00> : vector<197x197xf32>
    %dot_general3A_57 = tpu.matmul %squeeze3A_55, %get3A_10, %dot_general3A_56 {dimension_numbers = #tpu.dot_dimension_numbers<[1], [0], [0], [1], [0, 0, 1, 1], [], []>, transpose_lhs_hint = false} : vector<197x197xbf16>, vector<197x197xbf16>, vector<197x197xf32> -> vector<197x197xf32>
    %convert_element_type3A_58 = arith.truncf %dot_general3A_57 : vector<197x197xf32> to vector<197x197xbf16>
    %slice3A_59 = vector.extract_strided_slice %get3A_52 {offsets = [2, 0, 0], sizes = [1, 197, 197], strides = [1, 1, 1]} : vector<8x197x197xbf16> to vector<1x197x197xbf16>
    %squeeze3A_60 = vector.shape_cast %slice3A_59 : vector<1x197x197xbf16> to vector<197x197xbf16>
    %dot_general3A_61 = arith.constant dense<0.000000e+00> : vector<197x197xf32>
    %dot_general3A_62 = tpu.matmul %squeeze3A_60, %get3A_16, %dot_general3A_61 {dimension_numbers = #tpu.dot_dimension_numbers<[1], [0], [0], [1], [0, 0, 1, 1], [], []>, transpose_lhs_hint = false} : vector<197x197xbf16>, vector<197x197xbf16>, vector<197x197xf32> -> vector<197x197xf32>
    %convert_element_type3A_63 = arith.truncf %dot_general3A_62 : vector<197x197xf32> to vector<197x197xbf16>
    %slice3A_64 = vector.extract_strided_slice %get3A_52 {offsets = [3, 0, 0], sizes = [1, 197, 197], strides = [1, 1, 1]} : vector<8x197x197xbf16> to vector<1x197x197xbf16>
    %squeeze3A_65 = vector.shape_cast %slice3A_64 : vector<1x197x197xbf16> to vector<197x197xbf16>
    %dot_general3A_66 = arith.constant dense<0.000000e+00> : vector<197x197xf32>
    %dot_general3A_67 = tpu.matmul %squeeze3A_65, %get3A_22, %dot_general3A_66 {dimension_numbers = #tpu.dot_dimension_numbers<[1], [0], [0], [1], [0, 0, 1, 1], [], []>, transpose_lhs_hint = false} : vector<197x197xbf16>, vector<197x197xbf16>, vector<197x197xf32> -> vector<197x197xf32>
    %convert_element_type3A_68 = arith.truncf %dot_general3A_67 : vector<197x197xf32> to vector<197x197xbf16>
    %slice3A_69 = vector.extract_strided_slice %get3A_52 {offsets = [4, 0, 0], sizes = [1, 197, 197], strides = [1, 1, 1]} : vector<8x197x197xbf16> to vector<1x197x197xbf16>
    %squeeze3A_70 = vector.shape_cast %slice3A_69 : vector<1x197x197xbf16> to vector<197x197xbf16>
    %dot_general3A_71 = arith.constant dense<0.000000e+00> : vector<197x197xf32>
    %dot_general3A_72 = tpu.matmul %squeeze3A_70, %get3A_28, %dot_general3A_71 {dimension_numbers = #tpu.dot_dimension_numbers<[1], [0], [0], [1], [0, 0, 1, 1], [], []>, transpose_lhs_hint = false} : vector<197x197xbf16>, vector<197x197xbf16>, vector<197x197xf32> -> vector<197x197xf32>
    %convert_element_type3A_73 = arith.truncf %dot_general3A_72 : vector<197x197xf32> to vector<197x197xbf16>
    %slice3A_74 = vector.extract_strided_slice %get3A_52 {offsets = [5, 0, 0], sizes = [1, 197, 197], strides = [1, 1, 1]} : vector<8x197x197xbf16> to vector<1x197x197xbf16>
    %squeeze3A_75 = vector.shape_cast %slice3A_74 : vector<1x197x197xbf16> to vector<197x197xbf16>
    %dot_general3A_76 = arith.constant dense<0.000000e+00> : vector<197x197xf32>
    %dot_general3A_77 = tpu.matmul %squeeze3A_75, %get3A_34, %dot_general3A_76 {dimension_numbers = #tpu.dot_dimension_numbers<[1], [0], [0], [1], [0, 0, 1, 1], [], []>, transpose_lhs_hint = false} : vector<197x197xbf16>, vector<197x197xbf16>, vector<197x197xf32> -> vector<197x197xf32>
    %convert_element_type3A_78 = arith.truncf %dot_general3A_77 : vector<197x197xf32> to vector<197x197xbf16>
    %slice3A_79 = vector.extract_strided_slice %get3A_52 {offsets = [6, 0, 0], sizes = [1, 197, 197], strides = [1, 1, 1]} : vector<8x197x197xbf16> to vector<1x197x197xbf16>
    %squeeze3A_80 = vector.shape_cast %slice3A_79 : vector<1x197x197xbf16> to vector<197x197xbf16>
    %dot_general3A_81 = arith.constant dense<0.000000e+00> : vector<197x197xf32>
    %dot_general3A_82 = tpu.matmul %squeeze3A_80, %get3A_40, %dot_general3A_81 {dimension_numbers = #tpu.dot_dimension_numbers<[1], [0], [0], [1], [0, 0, 1, 1], [], []>, transpose_lhs_hint = false} : vector<197x197xbf16>, vector<197x197xbf16>, vector<197x197xf32> -> vector<197x197xf32>
    %convert_element_type3A_83 = arith.truncf %dot_general3A_82 : vector<197x197xf32> to vector<197x197xbf16>
    %slice3A_84 = vector.extract_strided_slice %get3A_52 {offsets = [7, 0, 0], sizes = [1, 197, 197], strides = [1, 1, 1]} : vector<8x197x197xbf16> to vector<1x197x197xbf16>
    %squeeze3A_85 = vector.shape_cast %slice3A_84 : vector<1x197x197xbf16> to vector<197x197xbf16>
    %dot_general3A_86 = arith.constant dense<0.000000e+00> : vector<197x197xf32>
    %dot_general3A_87 = tpu.matmul %squeeze3A_85, %get3A_46, %dot_general3A_86 {dimension_numbers = #tpu.dot_dimension_numbers<[1], [0], [0], [1], [0, 0, 1, 1], [], []>, transpose_lhs_hint = false} : vector<197x197xbf16>, vector<197x197xbf16>, vector<197x197xf32> -> vector<197x197xf32>
    %convert_element_type3A_88 = arith.truncf %dot_general3A_87 : vector<197x197xf32> to vector<197x197xbf16>
    %get3A_89 = arith.constant 2 : index
    %get3A_90 = arith.constant 0 : index
    %get3A_91 = arith.constant 0 : index
    %get3A_92 = arith.constant 0 : index
    %get3A_93 = vector.load %arg1[%get3A_89, %get3A_90, %get3A_91, %get3A_92] : memref<12x8x197x197xbf16, #tpu.memory_space<vmem>>, vector<1x8x197x197xbf16>
    %get3A_94 = vector.shape_cast %get3A_93 : vector<1x8x197x197xbf16> to vector<8x197x197xbf16>
    %slice3A_95 = vector.extract_strided_slice %get3A_94 {offsets = [0, 0, 0], sizes = [1, 197, 197], strides = [1, 1, 1]} : vector<8x197x197xbf16> to vector<1x197x197xbf16>
    %squeeze3A_96 = vector.shape_cast %slice3A_95 : vector<1x197x197xbf16> to vector<197x197xbf16>
    %dot_general3A_97 = arith.constant dense<0.000000e+00> : vector<197x197xf32>
    %dot_general3A_98 = tpu.matmul %squeeze3A_96, %convert_element_type3A, %dot_general3A_97 {dimension_numbers = #tpu.dot_dimension_numbers<[1], [0], [0], [1], [0, 0, 1, 1], [], []>, transpose_lhs_hint = false} : vector<197x197xbf16>, vector<197x197xbf16>, vector<197x197xf32> -> vector<197x197xf32>
    %convert_element_type3A_99 = arith.truncf %dot_general3A_98 : vector<197x197xf32> to vector<197x197xbf16>
    %slice3A_100 = vector.extract_strided_slice %get3A_94 {offsets = [1, 0, 0], sizes = [1, 197, 197], strides = [1, 1, 1]} : vector<8x197x197xbf16> to vector<1x197x197xbf16>
    %squeeze3A_101 = vector.shape_cast %slice3A_100 : vector<1x197x197xbf16> to vector<197x197xbf16>
    %dot_general3A_102 = arith.constant dense<0.000000e+00> : vector<197x197xf32>
    %dot_general3A_103 = tpu.matmul %squeeze3A_101, %convert_element_type3A_58, %dot_general3A_102 {dimension_numbers = #tpu.dot_dimension_numbers<[1], [0], [0], [1], [0, 0, 1, 1], [], []>, transpose_lhs_hint = false} : vector<197x197xbf16>, vector<197x197xbf16>, vector<197x197xf32> -> vector<197x197xf32>
    %convert_element_type3A_104 = arith.truncf %dot_general3A_103 : vector<197x197xf32> to vector<197x197xbf16>
    %slice3A_105 = vector.extract_strided_slice %get3A_94 {offsets = [2, 0, 0], sizes = [1, 197, 197], strides = [1, 1, 1]} : vector<8x197x197xbf16> to vector<1x197x197xbf16>
    %squeeze3A_106 = vector.shape_cast %slice3A_105 : vector<1x197x197xbf16> to vector<197x197xbf16>
    %dot_general3A_107 = arith.constant dense<0.000000e+00> : vector<197x197xf32>
    %dot_general3A_108 = tpu.matmul %squeeze3A_106, %convert_element_type3A_63, %dot_general3A_107 {dimension_numbers = #tpu.dot_dimension_numbers<[1], [0], [0], [1], [0, 0, 1, 1], [], []>, transpose_lhs_hint = false} : vector<197x197xbf16>, vector<197x197xbf16>, vector<197x197xf32> -> vector<197x197xf32>
    %convert_element_type3A_109 = arith.truncf %dot_general3A_108 : vector<197x197xf32> to vector<197x197xbf16>
    %slice3A_110 = vector.extract_strided_slice %get3A_94 {offsets = [3, 0, 0], sizes = [1, 197, 197], strides = [1, 1, 1]} : vector<8x197x197xbf16> to vector<1x197x197xbf16>
    %squeeze3A_111 = vector.shape_cast %slice3A_110 : vector<1x197x197xbf16> to vector<197x197xbf16>
    %dot_general3A_112 = arith.constant dense<0.000000e+00> : vector<197x197xf32>
    %dot_general3A_113 = tpu.matmul %squeeze3A_111, %convert_element_type3A_68, %dot_general3A_112 {dimension_numbers = #tpu.dot_dimension_numbers<[1], [0], [0], [1], [0, 0, 1, 1], [], []>, transpose_lhs_hint = false} : vector<197x197xbf16>, vector<197x197xbf16>, vector<197x197xf32> -> vector<197x197xf32>
    %convert_element_type3A_114 = arith.truncf %dot_general3A_113 : vector<197x197xf32> to vector<197x197xbf16>
    %slice3A_115 = vector.extract_strided_slice %get3A_94 {offsets = [4, 0, 0], sizes = [1, 197, 197], strides = [1, 1, 1]} : vector<8x197x197xbf16> to vector<1x197x197xbf16>
    %squeeze3A_116 = vector.shape_cast %slice3A_115 : vector<1x197x197xbf16> to vector<197x197xbf16>
    %dot_general3A_117 = arith.constant dense<0.000000e+00> : vector<197x197xf32>
    %dot_general3A_118 = tpu.matmul %squeeze3A_116, %convert_element_type3A_73, %dot_general3A_117 {dimension_numbers = #tpu.dot_dimension_numbers<[1], [0], [0], [1], [0, 0, 1, 1], [], []>, transpose_lhs_hint = false} : vector<197x197xbf16>, vector<197x197xbf16>, vector<197x197xf32> -> vector<197x197xf32>
    %convert_element_type3A_119 = arith.truncf %dot_general3A_118 : vector<197x197xf32> to vector<197x197xbf16>
    %slice3A_120 = vector.extract_strided_slice %get3A_94 {offsets = [5, 0, 0], sizes = [1, 197, 197], strides = [1, 1, 1]} : vector<8x197x197xbf16> to vector<1x197x197xbf16>
    %squeeze3A_121 = vector.shape_cast %slice3A_120 : vector<1x197x197xbf16> to vector<197x197xbf16>
    %dot_general3A_122 = arith.constant dense<0.000000e+00> : vector<197x197xf32>
    %dot_general3A_123 = tpu.matmul %squeeze3A_121, %convert_element_type3A_78, %dot_general3A_122 {dimension_numbers = #tpu.dot_dimension_numbers<[1], [0], [0], [1], [0, 0, 1, 1], [], []>, transpose_lhs_hint = false} : vector<197x197xbf16>, vector<197x197xbf16>, vector<197x197xf32> -> vector<197x197xf32>
    %convert_element_type3A_124 = arith.truncf %dot_general3A_123 : vector<197x197xf32> to vector<197x197xbf16>
    %slice3A_125 = vector.extract_strided_slice %get3A_94 {offsets = [6, 0, 0], sizes = [1, 197, 197], strides = [1, 1, 1]} : vector<8x197x197xbf16> to vector<1x197x197xbf16>
    %squeeze3A_126 = vector.shape_cast %slice3A_125 : vector<1x197x197xbf16> to vector<197x197xbf16>
    %dot_general3A_127 = arith.constant dense<0.000000e+00> : vector<197x197xf32>
    %dot_general3A_128 = tpu.matmul %squeeze3A_126, %convert_element_type3A_83, %dot_general3A_127 {dimension_numbers = #tpu.dot_dimension_numbers<[1], [0], [0], [1], [0, 0, 1, 1], [], []>, transpose_lhs_hint = false} : vector<197x197xbf16>, vector<197x197xbf16>, vector<197x197xf32> -> vector<197x197xf32>
    %convert_element_type3A_129 = arith.truncf %dot_general3A_128 : vector<197x197xf32> to vector<197x197xbf16>
    %slice3A_130 = vector.extract_strided_slice %get3A_94 {offsets = [7, 0, 0], sizes = [1, 197, 197], strides = [1, 1, 1]} : vector<8x197x197xbf16> to vector<1x197x197xbf16>
    %squeeze3A_131 = vector.shape_cast %slice3A_130 : vector<1x197x197xbf16> to vector<197x197xbf16>
    %dot_general3A_132 = arith.constant dense<0.000000e+00> : vector<197x197xf32>
    %dot_general3A_133 = tpu.matmul %squeeze3A_131, %convert_element_type3A_88, %dot_general3A_132 {dimension_numbers = #tpu.dot_dimension_numbers<[1], [0], [0], [1], [0, 0, 1, 1], [], []>, transpose_lhs_hint = false} : vector<197x197xbf16>, vector<197x197xbf16>, vector<197x197xf32> -> vector<197x197xf32>
    %convert_element_type3A_134 = arith.truncf %dot_general3A_133 : vector<197x197xf32> to vector<197x197xbf16>
    %get3A_135 = arith.constant 3 : index
    %get3A_136 = arith.constant 0 : index
    %get3A_137 = arith.constant 0 : index
    %get3A_138 = arith.constant 0 : index
    %get3A_139 = vector.load %arg1[%get3A_135, %get3A_136, %get3A_137, %get3A_138] : memref<12x8x197x197xbf16, #tpu.memory_space<vmem>>, vector<1x8x197x197xbf16>
    %get3A_140 = vector.shape_cast %get3A_139 : vector<1x8x197x197xbf16> to vector<8x197x197xbf16>
    %slice3A_141 = vector.extract_strided_slice %get3A_140 {offsets = [0, 0, 0], sizes = [1, 197, 197], strides = [1, 1, 1]} : vector<8x197x197xbf16> to vector<1x197x197xbf16>
    %squeeze3A_142 = vector.shape_cast %slice3A_141 : vector<1x197x197xbf16> to vector<197x197xbf16>
    %dot_general3A_143 = arith.constant dense<0.000000e+00> : vector<197x197xf32>
    %dot_general3A_144 = tpu.matmul %squeeze3A_142, %convert_element_type3A_99, %dot_general3A_143 {dimension_numbers = #tpu.dot_dimension_numbers<[1], [0], [0], [1], [0, 0, 1, 1], [], []>, transpose_lhs_hint = false} : vector<197x197xbf16>, vector<197x197xbf16>, vector<197x197xf32> -> vector<197x197xf32>
    %convert_element_type3A_145 = arith.truncf %dot_general3A_144 : vector<197x197xf32> to vector<197x197xbf16>
    %slice3A_146 = vector.extract_strided_slice %get3A_140 {offsets = [1, 0, 0], sizes = [1, 197, 197], strides = [1, 1, 1]} : vector<8x197x197xbf16> to vector<1x197x197xbf16>
    %squeeze3A_147 = vector.shape_cast %slice3A_146 : vector<1x197x197xbf16> to vector<197x197xbf16>
    %dot_general3A_148 = arith.constant dense<0.000000e+00> : vector<197x197xf32>
    %dot_general3A_149 = tpu.matmul %squeeze3A_147, %convert_element_type3A_104, %dot_general3A_148 {dimension_numbers = #tpu.dot_dimension_numbers<[1], [0], [0], [1], [0, 0, 1, 1], [], []>, transpose_lhs_hint = false} : vector<197x197xbf16>, vector<197x197xbf16>, vector<197x197xf32> -> vector<197x197xf32>
    %convert_element_type3A_150 = arith.truncf %dot_general3A_149 : vector<197x197xf32> to vector<197x197xbf16>
    %slice3A_151 = vector.extract_strided_slice %get3A_140 {offsets = [2, 0, 0], sizes = [1, 197, 197], strides = [1, 1, 1]} : vector<8x197x197xbf16> to vector<1x197x197xbf16>
    %squeeze3A_152 = vector.shape_cast %slice3A_151 : vector<1x197x197xbf16> to vector<197x197xbf16>
    %dot_general3A_153 = arith.constant dense<0.000000e+00> : vector<197x197xf32>
    %dot_general3A_154 = tpu.matmul %squeeze3A_152, %convert_element_type3A_109, %dot_general3A_153 {dimension_numbers = #tpu.dot_dimension_numbers<[1], [0], [0], [1], [0, 0, 1, 1], [], []>, transpose_lhs_hint = false} : vector<197x197xbf16>, vector<197x197xbf16>, vector<197x197xf32> -> vector<197x197xf32>
    %convert_element_type3A_155 = arith.truncf %dot_general3A_154 : vector<197x197xf32> to vector<197x197xbf16>
    %slice3A_156 = vector.extract_strided_slice %get3A_140 {offsets = [3, 0, 0], sizes = [1, 197, 197], strides = [1, 1, 1]} : vector<8x197x197xbf16> to vector<1x197x197xbf16>
    %squeeze3A_157 = vector.shape_cast %slice3A_156 : vector<1x197x197xbf16> to vector<197x197xbf16>
    %dot_general3A_158 = arith.constant dense<0.000000e+00> : vector<197x197xf32>
    %dot_general3A_159 = tpu.matmul %squeeze3A_157, %convert_element_type3A_114, %dot_general3A_158 {dimension_numbers = #tpu.dot_dimension_numbers<[1], [0], [0], [1], [0, 0, 1, 1], [], []>, transpose_lhs_hint = false} : vector<197x197xbf16>, vector<197x197xbf16>, vector<197x197xf32> -> vector<197x197xf32>
    %convert_element_type3A_160 = arith.truncf %dot_general3A_159 : vector<197x197xf32> to vector<197x197xbf16>
    %slice3A_161 = vector.extract_strided_slice %get3A_140 {offsets = [4, 0, 0], sizes = [1, 197, 197], strides = [1, 1, 1]} : vector<8x197x197xbf16> to vector<1x197x197xbf16>
    %squeeze3A_162 = vector.shape_cast %slice3A_161 : vector<1x197x197xbf16> to vector<197x197xbf16>
    %dot_general3A_163 = arith.constant dense<0.000000e+00> : vector<197x197xf32>
    %dot_general3A_164 = tpu.matmul %squeeze3A_162, %convert_element_type3A_119, %dot_general3A_163 {dimension_numbers = #tpu.dot_dimension_numbers<[1], [0], [0], [1], [0, 0, 1, 1], [], []>, transpose_lhs_hint = false} : vector<197x197xbf16>, vector<197x197xbf16>, vector<197x197xf32> -> vector<197x197xf32>
    %convert_element_type3A_165 = arith.truncf %dot_general3A_164 : vector<197x197xf32> to vector<197x197xbf16>
    %slice3A_166 = vector.extract_strided_slice %get3A_140 {offsets = [5, 0, 0], sizes = [1, 197, 197], strides = [1, 1, 1]} : vector<8x197x197xbf16> to vector<1x197x197xbf16>
    %squeeze3A_167 = vector.shape_cast %slice3A_166 : vector<1x197x197xbf16> to vector<197x197xbf16>
    %dot_general3A_168 = arith.constant dense<0.000000e+00> : vector<197x197xf32>
    %dot_general3A_169 = tpu.matmul %squeeze3A_167, %convert_element_type3A_124, %dot_general3A_168 {dimension_numbers = #tpu.dot_dimension_numbers<[1], [0], [0], [1], [0, 0, 1, 1], [], []>, transpose_lhs_hint = false} : vector<197x197xbf16>, vector<197x197xbf16>, vector<197x197xf32> -> vector<197x197xf32>
    %convert_element_type3A_170 = arith.truncf %dot_general3A_169 : vector<197x197xf32> to vector<197x197xbf16>
    %slice3A_171 = vector.extract_strided_slice %get3A_140 {offsets = [6, 0, 0], sizes = [1, 197, 197], strides = [1, 1, 1]} : vector<8x197x197xbf16> to vector<1x197x197xbf16>
    %squeeze3A_172 = vector.shape_cast %slice3A_171 : vector<1x197x197xbf16> to vector<197x197xbf16>
    %dot_general3A_173 = arith.constant dense<0.000000e+00> : vector<197x197xf32>
    %dot_general3A_174 = tpu.matmul %squeeze3A_172, %convert_element_type3A_129, %dot_general3A_173 {dimension_numbers = #tpu.dot_dimension_numbers<[1], [0], [0], [1], [0, 0, 1, 1], [], []>, transpose_lhs_hint = false} : vector<197x197xbf16>, vector<197x197xbf16>, vector<197x197xf32> -> vector<197x197xf32>
    %convert_element_type3A_175 = arith.truncf %dot_general3A_174 : vector<197x197xf32> to vector<197x197xbf16>
    %slice3A_176 = vector.extract_strided_slice %get3A_140 {offsets = [7, 0, 0], sizes = [1, 197, 197], strides = [1, 1, 1]} : vector<8x197x197xbf16> to vector<1x197x197xbf16>
    %squeeze3A_177 = vector.shape_cast %slice3A_176 : vector<1x197x197xbf16> to vector<197x197xbf16>
    %dot_general3A_178 = arith.constant dense<0.000000e+00> : vector<197x197xf32>
    %dot_general3A_179 = tpu.matmul %squeeze3A_177, %convert_element_type3A_134, %dot_general3A_178 {dimension_numbers = #tpu.dot_dimension_numbers<[1], [0], [0], [1], [0, 0, 1, 1], [], []>, transpose_lhs_hint = false} : vector<197x197xbf16>, vector<197x197xbf16>, vector<197x197xf32> -> vector<197x197xf32>
    %convert_element_type3A_180 = arith.truncf %dot_general3A_179 : vector<197x197xf32> to vector<197x197xbf16>
    %get3A_181 = arith.constant 4 : index
    %get3A_182 = arith.constant 0 : index
    %get3A_183 = arith.constant 0 : index
    %get3A_184 = arith.constant 0 : index
    %get3A_185 = vector.load %arg1[%get3A_181, %get3A_182, %get3A_183, %get3A_184] : memref<12x8x197x197xbf16, #tpu.memory_space<vmem>>, vector<1x8x197x197xbf16>
    %get3A_186 = vector.shape_cast %get3A_185 : vector<1x8x197x197xbf16> to vector<8x197x197xbf16>
    %slice3A_187 = vector.extract_strided_slice %get3A_186 {offsets = [0, 0, 0], sizes = [1, 197, 197], strides = [1, 1, 1]} : vector<8x197x197xbf16> to vector<1x197x197xbf16>
    %squeeze3A_188 = vector.shape_cast %slice3A_187 : vector<1x197x197xbf16> to vector<197x197xbf16>
    %dot_general3A_189 = arith.constant dense<0.000000e+00> : vector<197x197xf32>
    %dot_general3A_190 = tpu.matmul %squeeze3A_188, %convert_element_type3A_145, %dot_general3A_189 {dimension_numbers = #tpu.dot_dimension_numbers<[1], [0], [0], [1], [0, 0, 1, 1], [], []>, transpose_lhs_hint = false} : vector<197x197xbf16>, vector<197x197xbf16>, vector<197x197xf32> -> vector<197x197xf32>
    %convert_element_type3A_191 = arith.truncf %dot_general3A_190 : vector<197x197xf32> to vector<197x197xbf16>
    %slice3A_192 = vector.extract_strided_slice %get3A_186 {offsets = [1, 0, 0], sizes = [1, 197, 197], strides = [1, 1, 1]} : vector<8x197x197xbf16> to vector<1x197x197xbf16>
    %squeeze3A_193 = vector.shape_cast %slice3A_192 : vector<1x197x197xbf16> to vector<197x197xbf16>
    %dot_general3A_194 = arith.constant dense<0.000000e+00> : vector<197x197xf32>
    %dot_general3A_195 = tpu.matmul %squeeze3A_193, %convert_element_type3A_150, %dot_general3A_194 {dimension_numbers = #tpu.dot_dimension_numbers<[1], [0], [0], [1], [0, 0, 1, 1], [], []>, transpose_lhs_hint = false} : vector<197x197xbf16>, vector<197x197xbf16>, vector<197x197xf32> -> vector<197x197xf32>
    %convert_element_type3A_196 = arith.truncf %dot_general3A_195 : vector<197x197xf32> to vector<197x197xbf16>
    %slice3A_197 = vector.extract_strided_slice %get3A_186 {offsets = [2, 0, 0], sizes = [1, 197, 197], strides = [1, 1, 1]} : vector<8x197x197xbf16> to vector<1x197x197xbf16>
    %squeeze3A_198 = vector.shape_cast %slice3A_197 : vector<1x197x197xbf16> to vector<197x197xbf16>
    %dot_general3A_199 = arith.constant dense<0.000000e+00> : vector<197x197xf32>
    %dot_general3A_200 = tpu.matmul %squeeze3A_198, %convert_element_type3A_155, %dot_general3A_199 {dimension_numbers = #tpu.dot_dimension_numbers<[1], [0], [0], [1], [0, 0, 1, 1], [], []>, transpose_lhs_hint = false} : vector<197x197xbf16>, vector<197x197xbf16>, vector<197x197xf32> -> vector<197x197xf32>
    %convert_element_type3A_201 = arith.truncf %dot_general3A_200 : vector<197x197xf32> to vector<197x197xbf16>
    %slice3A_202 = vector.extract_strided_slice %get3A_186 {offsets = [3, 0, 0], sizes = [1, 197, 197], strides = [1, 1, 1]} : vector<8x197x197xbf16> to vector<1x197x197xbf16>
    %squeeze3A_203 = vector.shape_cast %slice3A_202 : vector<1x197x197xbf16> to vector<197x197xbf16>
    %dot_general3A_204 = arith.constant dense<0.000000e+00> : vector<197x197xf32>
    %dot_general3A_205 = tpu.matmul %squeeze3A_203, %convert_element_type3A_160, %dot_general3A_204 {dimension_numbers = #tpu.dot_dimension_numbers<[1], [0], [0], [1], [0, 0, 1, 1], [], []>, transpose_lhs_hint = false} : vector<197x197xbf16>, vector<197x197xbf16>, vector<197x197xf32> -> vector<197x197xf32>
    %convert_element_type3A_206 = arith.truncf %dot_general3A_205 : vector<197x197xf32> to vector<197x197xbf16>
    %slice3A_207 = vector.extract_strided_slice %get3A_186 {offsets = [4, 0, 0], sizes = [1, 197, 197], strides = [1, 1, 1]} : vector<8x197x197xbf16> to vector<1x197x197xbf16>
    %squeeze3A_208 = vector.shape_cast %slice3A_207 : vector<1x197x197xbf16> to vector<197x197xbf16>
    %dot_general3A_209 = arith.constant dense<0.000000e+00> : vector<197x197xf32>
    %dot_general3A_210 = tpu.matmul %squeeze3A_208, %convert_element_type3A_165, %dot_general3A_209 {dimension_numbers = #tpu.dot_dimension_numbers<[1], [0], [0], [1], [0, 0, 1, 1], [], []>, transpose_lhs_hint = false} : vector<197x197xbf16>, vector<197x197xbf16>, vector<197x197xf32> -> vector<197x197xf32>
    %convert_element_type3A_211 = arith.truncf %dot_general3A_210 : vector<197x197xf32> to vector<197x197xbf16>
    %slice3A_212 = vector.extract_strided_slice %get3A_186 {offsets = [5, 0, 0], sizes = [1, 197, 197], strides = [1, 1, 1]} : vector<8x197x197xbf16> to vector<1x197x197xbf16>
    %squeeze3A_213 = vector.shape_cast %slice3A_212 : vector<1x197x197xbf16> to vector<197x197xbf16>
    %dot_general3A_214 = arith.constant dense<0.000000e+00> : vector<197x197xf32>
    %dot_general3A_215 = tpu.matmul %squeeze3A_213, %convert_element_type3A_170, %dot_general3A_214 {dimension_numbers = #tpu.dot_dimension_numbers<[1], [0], [0], [1], [0, 0, 1, 1], [], []>, transpose_lhs_hint = false} : vector<197x197xbf16>, vector<197x197xbf16>, vector<197x197xf32> -> vector<197x197xf32>
    %convert_element_type3A_216 = arith.truncf %dot_general3A_215 : vector<197x197xf32> to vector<197x197xbf16>
    %slice3A_217 = vector.extract_strided_slice %get3A_186 {offsets = [6, 0, 0], sizes = [1, 197, 197], strides = [1, 1, 1]} : vector<8x197x197xbf16> to vector<1x197x197xbf16>
    %squeeze3A_218 = vector.shape_cast %slice3A_217 : vector<1x197x197xbf16> to vector<197x197xbf16>
    %dot_general3A_219 = arith.constant dense<0.000000e+00> : vector<197x197xf32>
    %dot_general3A_220 = tpu.matmul %squeeze3A_218, %convert_element_type3A_175, %dot_general3A_219 {dimension_numbers = #tpu.dot_dimension_numbers<[1], [0], [0], [1], [0, 0, 1, 1], [], []>, transpose_lhs_hint = false} : vector<197x197xbf16>, vector<197x197xbf16>, vector<197x197xf32> -> vector<197x197xf32>
    %convert_element_type3A_221 = arith.truncf %dot_general3A_220 : vector<197x197xf32> to vector<197x197xbf16>
    %slice3A_222 = vector.extract_strided_slice %get3A_186 {offsets = [7, 0, 0], sizes = [1, 197, 197], strides = [1, 1, 1]} : vector<8x197x197xbf16> to vector<1x197x197xbf16>
    %squeeze3A_223 = vector.shape_cast %slice3A_222 : vector<1x197x197xbf16> to vector<197x197xbf16>
    %dot_general3A_224 = arith.constant dense<0.000000e+00> : vector<197x197xf32>
    %dot_general3A_225 = tpu.matmul %squeeze3A_223, %convert_element_type3A_180, %dot_general3A_224 {dimension_numbers = #tpu.dot_dimension_numbers<[1], [0], [0], [1], [0, 0, 1, 1], [], []>, transpose_lhs_hint = false} : vector<197x197xbf16>, vector<197x197xbf16>, vector<197x197xf32> -> vector<197x197xf32>
    %convert_element_type3A_226 = arith.truncf %dot_general3A_225 : vector<197x197xf32> to vector<197x197xbf16>
    %get3A_227 = arith.constant 5 : index
    %get3A_228 = arith.constant 0 : index
    %get3A_229 = arith.constant 0 : index
    %get3A_230 = arith.constant 0 : index
    %get3A_231 = vector.load %arg1[%get3A_227, %get3A_228, %get3A_229, %get3A_230] : memref<12x8x197x197xbf16, #tpu.memory_space<vmem>>, vector<1x8x197x197xbf16>
    %get3A_232 = vector.shape_cast %get3A_231 : vector<1x8x197x197xbf16> to vector<8x197x197xbf16>
    %slice3A_233 = vector.extract_strided_slice %get3A_232 {offsets = [0, 0, 0], sizes = [1, 197, 197], strides = [1, 1, 1]} : vector<8x197x197xbf16> to vector<1x197x197xbf16>
    %squeeze3A_234 = vector.shape_cast %slice3A_233 : vector<1x197x197xbf16> to vector<197x197xbf16>
    %dot_general3A_235 = arith.constant dense<0.000000e+00> : vector<197x197xf32>
    %dot_general3A_236 = tpu.matmul %squeeze3A_234, %convert_element_type3A_191, %dot_general3A_235 {dimension_numbers = #tpu.dot_dimension_numbers<[1], [0], [0], [1], [0, 0, 1, 1], [], []>, transpose_lhs_hint = false} : vector<197x197xbf16>, vector<197x197xbf16>, vector<197x197xf32> -> vector<197x197xf32>
    %convert_element_type3A_237 = arith.truncf %dot_general3A_236 : vector<197x197xf32> to vector<197x197xbf16>
    %slice3A_238 = vector.extract_strided_slice %get3A_232 {offsets = [1, 0, 0], sizes = [1, 197, 197], strides = [1, 1, 1]} : vector<8x197x197xbf16> to vector<1x197x197xbf16>
    %squeeze3A_239 = vector.shape_cast %slice3A_238 : vector<1x197x197xbf16> to vector<197x197xbf16>
    %dot_general3A_240 = arith.constant dense<0.000000e+00> : vector<197x197xf32>
    %dot_general3A_241 = tpu.matmul %squeeze3A_239, %convert_element_type3A_196, %dot_general3A_240 {dimension_numbers = #tpu.dot_dimension_numbers<[1], [0], [0], [1], [0, 0, 1, 1], [], []>, transpose_lhs_hint = false} : vector<197x197xbf16>, vector<197x197xbf16>, vector<197x197xf32> -> vector<197x197xf32>
    %convert_element_type3A_242 = arith.truncf %dot_general3A_241 : vector<197x197xf32> to vector<197x197xbf16>
    %slice3A_243 = vector.extract_strided_slice %get3A_232 {offsets = [2, 0, 0], sizes = [1, 197, 197], strides = [1, 1, 1]} : vector<8x197x197xbf16> to vector<1x197x197xbf16>
    %squeeze3A_244 = vector.shape_cast %slice3A_243 : vector<1x197x197xbf16> to vector<197x197xbf16>
    %dot_general3A_245 = arith.constant dense<0.000000e+00> : vector<197x197xf32>
    %dot_general3A_246 = tpu.matmul %squeeze3A_244, %convert_element_type3A_201, %dot_general3A_245 {dimension_numbers = #tpu.dot_dimension_numbers<[1], [0], [0], [1], [0, 0, 1, 1], [], []>, transpose_lhs_hint = false} : vector<197x197xbf16>, vector<197x197xbf16>, vector<197x197xf32> -> vector<197x197xf32>
    %convert_element_type3A_247 = arith.truncf %dot_general3A_246 : vector<197x197xf32> to vector<197x197xbf16>
    %slice3A_248 = vector.extract_strided_slice %get3A_232 {offsets = [3, 0, 0], sizes = [1, 197, 197], strides = [1, 1, 1]} : vector<8x197x197xbf16> to vector<1x197x197xbf16>
    %squeeze3A_249 = vector.shape_cast %slice3A_248 : vector<1x197x197xbf16> to vector<197x197xbf16>
    %dot_general3A_250 = arith.constant dense<0.000000e+00> : vector<197x197xf32>
    %dot_general3A_251 = tpu.matmul %squeeze3A_249, %convert_element_type3A_206, %dot_general3A_250 {dimension_numbers = #tpu.dot_dimension_numbers<[1], [0], [0], [1], [0, 0, 1, 1], [], []>, transpose_lhs_hint = false} : vector<197x197xbf16>, vector<197x197xbf16>, vector<197x197xf32> -> vector<197x197xf32>
    %convert_element_type3A_252 = arith.truncf %dot_general3A_251 : vector<197x197xf32> to vector<197x197xbf16>
    %slice3A_253 = vector.extract_strided_slice %get3A_232 {offsets = [4, 0, 0], sizes = [1, 197, 197], strides = [1, 1, 1]} : vector<8x197x197xbf16> to vector<1x197x197xbf16>
    %squeeze3A_254 = vector.shape_cast %slice3A_253 : vector<1x197x197xbf16> to vector<197x197xbf16>
    %dot_general3A_255 = arith.constant dense<0.000000e+00> : vector<197x197xf32>
    %dot_general3A_256 = tpu.matmul %squeeze3A_254, %convert_element_type3A_211, %dot_general3A_255 {dimension_numbers = #tpu.dot_dimension_numbers<[1], [0], [0], [1], [0, 0, 1, 1], [], []>, transpose_lhs_hint = false} : vector<197x197xbf16>, vector<197x197xbf16>, vector<197x197xf32> -> vector<197x197xf32>
    %convert_element_type3A_257 = arith.truncf %dot_general3A_256 : vector<197x197xf32> to vector<197x197xbf16>
    %slice3A_258 = vector.extract_strided_slice %get3A_232 {offsets = [5, 0, 0], sizes = [1, 197, 197], strides = [1, 1, 1]} : vector<8x197x197xbf16> to vector<1x197x197xbf16>
    %squeeze3A_259 = vector.shape_cast %slice3A_258 : vector<1x197x197xbf16> to vector<197x197xbf16>
    %dot_general3A_260 = arith.constant dense<0.000000e+00> : vector<197x197xf32>
    %dot_general3A_261 = tpu.matmul %squeeze3A_259, %convert_element_type3A_216, %dot_general3A_260 {dimension_numbers = #tpu.dot_dimension_numbers<[1], [0], [0], [1], [0, 0, 1, 1], [], []>, transpose_lhs_hint = false} : vector<197x197xbf16>, vector<197x197xbf16>, vector<197x197xf32> -> vector<197x197xf32>
    %convert_element_type3A_262 = arith.truncf %dot_general3A_261 : vector<197x197xf32> to vector<197x197xbf16>
    %slice3A_263 = vector.extract_strided_slice %get3A_232 {offsets = [6, 0, 0], sizes = [1, 197, 197], strides = [1, 1, 1]} : vector<8x197x197xbf16> to vector<1x197x197xbf16>
    %squeeze3A_264 = vector.shape_cast %slice3A_263 : vector<1x197x197xbf16> to vector<197x197xbf16>
    %dot_general3A_265 = arith.constant dense<0.000000e+00> : vector<197x197xf32>
    %dot_general3A_266 = tpu.matmul %squeeze3A_264, %convert_element_type3A_221, %dot_general3A_265 {dimension_numbers = #tpu.dot_dimension_numbers<[1], [0], [0], [1], [0, 0, 1, 1], [], []>, transpose_lhs_hint = false} : vector<197x197xbf16>, vector<197x197xbf16>, vector<197x197xf32> -> vector<197x197xf32>
    %convert_element_type3A_267 = arith.truncf %dot_general3A_266 : vector<197x197xf32> to vector<197x197xbf16>
    %slice3A_268 = vector.extract_strided_slice %get3A_232 {offsets = [7, 0, 0], sizes = [1, 197, 197], strides = [1, 1, 1]} : vector<8x197x197xbf16> to vector<1x197x197xbf16>
    %squeeze3A_269 = vector.shape_cast %slice3A_268 : vector<1x197x197xbf16> to vector<197x197xbf16>
    %dot_general3A_270 = arith.constant dense<0.000000e+00> : vector<197x197xf32>
    %dot_general3A_271 = tpu.matmul %squeeze3A_269, %convert_element_type3A_226, %dot_general3A_270 {dimension_numbers = #tpu.dot_dimension_numbers<[1], [0], [0], [1], [0, 0, 1, 1], [], []>, transpose_lhs_hint = false} : vector<197x197xbf16>, vector<197x197xbf16>, vector<197x197xf32> -> vector<197x197xf32>
    %convert_element_type3A_272 = arith.truncf %dot_general3A_271 : vector<197x197xf32> to vector<197x197xbf16>
    %get3A_273 = arith.constant 6 : index
    %get3A_274 = arith.constant 0 : index
    %get3A_275 = arith.constant 0 : index
    %get3A_276 = arith.constant 0 : index
    %get3A_277 = vector.load %arg1[%get3A_273, %get3A_274, %get3A_275, %get3A_276] : memref<12x8x197x197xbf16, #tpu.memory_space<vmem>>, vector<1x8x197x197xbf16>
    %get3A_278 = vector.shape_cast %get3A_277 : vector<1x8x197x197xbf16> to vector<8x197x197xbf16>
    %slice3A_279 = vector.extract_strided_slice %get3A_278 {offsets = [0, 0, 0], sizes = [1, 197, 197], strides = [1, 1, 1]} : vector<8x197x197xbf16> to vector<1x197x197xbf16>
    %squeeze3A_280 = vector.shape_cast %slice3A_279 : vector<1x197x197xbf16> to vector<197x197xbf16>
    %dot_general3A_281 = arith.constant dense<0.000000e+00> : vector<197x197xf32>
    %dot_general3A_282 = tpu.matmul %squeeze3A_280, %convert_element_type3A_237, %dot_general3A_281 {dimension_numbers = #tpu.dot_dimension_numbers<[1], [0], [0], [1], [0, 0, 1, 1], [], []>, transpose_lhs_hint = false} : vector<197x197xbf16>, vector<197x197xbf16>, vector<197x197xf32> -> vector<197x197xf32>
    %convert_element_type3A_283 = arith.truncf %dot_general3A_282 : vector<197x197xf32> to vector<197x197xbf16>
    %slice3A_284 = vector.extract_strided_slice %get3A_278 {offsets = [1, 0, 0], sizes = [1, 197, 197], strides = [1, 1, 1]} : vector<8x197x197xbf16> to vector<1x197x197xbf16>
    %squeeze3A_285 = vector.shape_cast %slice3A_284 : vector<1x197x197xbf16> to vector<197x197xbf16>
    %dot_general3A_286 = arith.constant dense<0.000000e+00> : vector<197x197xf32>
    %dot_general3A_287 = tpu.matmul %squeeze3A_285, %convert_element_type3A_242, %dot_general3A_286 {dimension_numbers = #tpu.dot_dimension_numbers<[1], [0], [0], [1], [0, 0, 1, 1], [], []>, transpose_lhs_hint = false} : vector<197x197xbf16>, vector<197x197xbf16>, vector<197x197xf32> -> vector<197x197xf32>
    %convert_element_type3A_288 = arith.truncf %dot_general3A_287 : vector<197x197xf32> to vector<197x197xbf16>
    %slice3A_289 = vector.extract_strided_slice %get3A_278 {offsets = [2, 0, 0], sizes = [1, 197, 197], strides = [1, 1, 1]} : vector<8x197x197xbf16> to vector<1x197x197xbf16>
    %squeeze3A_290 = vector.shape_cast %slice3A_289 : vector<1x197x197xbf16> to vector<197x197xbf16>
    %dot_general3A_291 = arith.constant dense<0.000000e+00> : vector<197x197xf32>
    %dot_general3A_292 = tpu.matmul %squeeze3A_290, %convert_element_type3A_247, %dot_general3A_291 {dimension_numbers = #tpu.dot_dimension_numbers<[1], [0], [0], [1], [0, 0, 1, 1], [], []>, transpose_lhs_hint = false} : vector<197x197xbf16>, vector<197x197xbf16>, vector<197x197xf32> -> vector<197x197xf32>
    %convert_element_type3A_293 = arith.truncf %dot_general3A_292 : vector<197x197xf32> to vector<197x197xbf16>
    %slice3A_294 = vector.extract_strided_slice %get3A_278 {offsets = [3, 0, 0], sizes = [1, 197, 197], strides = [1, 1, 1]} : vector<8x197x197xbf16> to vector<1x197x197xbf16>
    %squeeze3A_295 = vector.shape_cast %slice3A_294 : vector<1x197x197xbf16> to vector<197x197xbf16>
    %dot_general3A_296 = arith.constant dense<0.000000e+00> : vector<197x197xf32>
    %dot_general3A_297 = tpu.matmul %squeeze3A_295, %convert_element_type3A_252, %dot_general3A_296 {dimension_numbers = #tpu.dot_dimension_numbers<[1], [0], [0], [1], [0, 0, 1, 1], [], []>, transpose_lhs_hint = false} : vector<197x197xbf16>, vector<197x197xbf16>, vector<197x197xf32> -> vector<197x197xf32>
    %convert_element_type3A_298 = arith.truncf %dot_general3A_297 : vector<197x197xf32> to vector<197x197xbf16>
    %slice3A_299 = vector.extract_strided_slice %get3A_278 {offsets = [4, 0, 0], sizes = [1, 197, 197], strides = [1, 1, 1]} : vector<8x197x197xbf16> to vector<1x197x197xbf16>
    %squeeze3A_300 = vector.shape_cast %slice3A_299 : vector<1x197x197xbf16> to vector<197x197xbf16>
    %dot_general3A_301 = arith.constant dense<0.000000e+00> : vector<197x197xf32>
    %dot_general3A_302 = tpu.matmul %squeeze3A_300, %convert_element_type3A_257, %dot_general3A_301 {dimension_numbers = #tpu.dot_dimension_numbers<[1], [0], [0], [1], [0, 0, 1, 1], [], []>, transpose_lhs_hint = false} : vector<197x197xbf16>, vector<197x197xbf16>, vector<197x197xf32> -> vector<197x197xf32>
    %convert_element_type3A_303 = arith.truncf %dot_general3A_302 : vector<197x197xf32> to vector<197x197xbf16>
    %slice3A_304 = vector.extract_strided_slice %get3A_278 {offsets = [5, 0, 0], sizes = [1, 197, 197], strides = [1, 1, 1]} : vector<8x197x197xbf16> to vector<1x197x197xbf16>
    %squeeze3A_305 = vector.shape_cast %slice3A_304 : vector<1x197x197xbf16> to vector<197x197xbf16>
    %dot_general3A_306 = arith.constant dense<0.000000e+00> : vector<197x197xf32>
    %dot_general3A_307 = tpu.matmul %squeeze3A_305, %convert_element_type3A_262, %dot_general3A_306 {dimension_numbers = #tpu.dot_dimension_numbers<[1], [0], [0], [1], [0, 0, 1, 1], [], []>, transpose_lhs_hint = false} : vector<197x197xbf16>, vector<197x197xbf16>, vector<197x197xf32> -> vector<197x197xf32>
    %convert_element_type3A_308 = arith.truncf %dot_general3A_307 : vector<197x197xf32> to vector<197x197xbf16>
    %slice3A_309 = vector.extract_strided_slice %get3A_278 {offsets = [6, 0, 0], sizes = [1, 197, 197], strides = [1, 1, 1]} : vector<8x197x197xbf16> to vector<1x197x197xbf16>
    %squeeze3A_310 = vector.shape_cast %slice3A_309 : vector<1x197x197xbf16> to vector<197x197xbf16>
    %dot_general3A_311 = arith.constant dense<0.000000e+00> : vector<197x197xf32>
    %dot_general3A_312 = tpu.matmul %squeeze3A_310, %convert_element_type3A_267, %dot_general3A_311 {dimension_numbers = #tpu.dot_dimension_numbers<[1], [0], [0], [1], [0, 0, 1, 1], [], []>, transpose_lhs_hint = false} : vector<197x197xbf16>, vector<197x197xbf16>, vector<197x197xf32> -> vector<197x197xf32>
    %convert_element_type3A_313 = arith.truncf %dot_general3A_312 : vector<197x197xf32> to vector<197x197xbf16>
    %slice3A_314 = vector.extract_strided_slice %get3A_278 {offsets = [7, 0, 0], sizes = [1, 197, 197], strides = [1, 1, 1]} : vector<8x197x197xbf16> to vector<1x197x197xbf16>
    %squeeze3A_315 = vector.shape_cast %slice3A_314 : vector<1x197x197xbf16> to vector<197x197xbf16>
    %dot_general3A_316 = arith.constant dense<0.000000e+00> : vector<197x197xf32>
    %dot_general3A_317 = tpu.matmul %squeeze3A_315, %convert_element_type3A_272, %dot_general3A_316 {dimension_numbers = #tpu.dot_dimension_numbers<[1], [0], [0], [1], [0, 0, 1, 1], [], []>, transpose_lhs_hint = false} : vector<197x197xbf16>, vector<197x197xbf16>, vector<197x197xf32> -> vector<197x197xf32>
    %convert_element_type3A_318 = arith.truncf %dot_general3A_317 : vector<197x197xf32> to vector<197x197xbf16>
    %get3A_319 = arith.constant 7 : index
    %get3A_320 = arith.constant 0 : index
    %get3A_321 = arith.constant 0 : index
    %get3A_322 = arith.constant 0 : index
    %get3A_323 = vector.load %arg1[%get3A_319, %get3A_320, %get3A_321, %get3A_322] : memref<12x8x197x197xbf16, #tpu.memory_space<vmem>>, vector<1x8x197x197xbf16>
    %get3A_324 = vector.shape_cast %get3A_323 : vector<1x8x197x197xbf16> to vector<8x197x197xbf16>
    %slice3A_325 = vector.extract_strided_slice %get3A_324 {offsets = [0, 0, 0], sizes = [1, 197, 197], strides = [1, 1, 1]} : vector<8x197x197xbf16> to vector<1x197x197xbf16>
    %squeeze3A_326 = vector.shape_cast %slice3A_325 : vector<1x197x197xbf16> to vector<197x197xbf16>
    %dot_general3A_327 = arith.constant dense<0.000000e+00> : vector<197x197xf32>
    %dot_general3A_328 = tpu.matmul %squeeze3A_326, %convert_element_type3A_283, %dot_general3A_327 {dimension_numbers = #tpu.dot_dimension_numbers<[1], [0], [0], [1], [0, 0, 1, 1], [], []>, transpose_lhs_hint = false} : vector<197x197xbf16>, vector<197x197xbf16>, vector<197x197xf32> -> vector<197x197xf32>
    %convert_element_type3A_329 = arith.truncf %dot_general3A_328 : vector<197x197xf32> to vector<197x197xbf16>
    %slice3A_330 = vector.extract_strided_slice %get3A_324 {offsets = [1, 0, 0], sizes = [1, 197, 197], strides = [1, 1, 1]} : vector<8x197x197xbf16> to vector<1x197x197xbf16>
    %squeeze3A_331 = vector.shape_cast %slice3A_330 : vector<1x197x197xbf16> to vector<197x197xbf16>
    %dot_general3A_332 = arith.constant dense<0.000000e+00> : vector<197x197xf32>
    %dot_general3A_333 = tpu.matmul %squeeze3A_331, %convert_element_type3A_288, %dot_general3A_332 {dimension_numbers = #tpu.dot_dimension_numbers<[1], [0], [0], [1], [0, 0, 1, 1], [], []>, transpose_lhs_hint = false} : vector<197x197xbf16>, vector<197x197xbf16>, vector<197x197xf32> -> vector<197x197xf32>
    %convert_element_type3A_334 = arith.truncf %dot_general3A_333 : vector<197x197xf32> to vector<197x197xbf16>
    %slice3A_335 = vector.extract_strided_slice %get3A_324 {offsets = [2, 0, 0], sizes = [1, 197, 197], strides = [1, 1, 1]} : vector<8x197x197xbf16> to vector<1x197x197xbf16>
    %squeeze3A_336 = vector.shape_cast %slice3A_335 : vector<1x197x197xbf16> to vector<197x197xbf16>
    %dot_general3A_337 = arith.constant dense<0.000000e+00> : vector<197x197xf32>
    %dot_general3A_338 = tpu.matmul %squeeze3A_336, %convert_element_type3A_293, %dot_general3A_337 {dimension_numbers = #tpu.dot_dimension_numbers<[1], [0], [0], [1], [0, 0, 1, 1], [], []>, transpose_lhs_hint = false} : vector<197x197xbf16>, vector<197x197xbf16>, vector<197x197xf32> -> vector<197x197xf32>
    %convert_element_type3A_339 = arith.truncf %dot_general3A_338 : vector<197x197xf32> to vector<197x197xbf16>
    %slice3A_340 = vector.extract_strided_slice %get3A_324 {offsets = [3, 0, 0], sizes = [1, 197, 197], strides = [1, 1, 1]} : vector<8x197x197xbf16> to vector<1x197x197xbf16>
    %squeeze3A_341 = vector.shape_cast %slice3A_340 : vector<1x197x197xbf16> to vector<197x197xbf16>
    %dot_general3A_342 = arith.constant dense<0.000000e+00> : vector<197x197xf32>
    %dot_general3A_343 = tpu.matmul %squeeze3A_341, %convert_element_type3A_298, %dot_general3A_342 {dimension_numbers = #tpu.dot_dimension_numbers<[1], [0], [0], [1], [0, 0, 1, 1], [], []>, transpose_lhs_hint = false} : vector<197x197xbf16>, vector<197x197xbf16>, vector<197x197xf32> -> vector<197x197xf32>
    %convert_element_type3A_344 = arith.truncf %dot_general3A_343 : vector<197x197xf32> to vector<197x197xbf16>
    %slice3A_345 = vector.extract_strided_slice %get3A_324 {offsets = [4, 0, 0], sizes = [1, 197, 197], strides = [1, 1, 1]} : vector<8x197x197xbf16> to vector<1x197x197xbf16>
    %squeeze3A_346 = vector.shape_cast %slice3A_345 : vector<1x197x197xbf16> to vector<197x197xbf16>
    %dot_general3A_347 = arith.constant dense<0.000000e+00> : vector<197x197xf32>
    %dot_general3A_348 = tpu.matmul %squeeze3A_346, %convert_element_type3A_303, %dot_general3A_347 {dimension_numbers = #tpu.dot_dimension_numbers<[1], [0], [0], [1], [0, 0, 1, 1], [], []>, transpose_lhs_hint = false} : vector<197x197xbf16>, vector<197x197xbf16>, vector<197x197xf32> -> vector<197x197xf32>
    %convert_element_type3A_349 = arith.truncf %dot_general3A_348 : vector<197x197xf32> to vector<197x197xbf16>
    %slice3A_350 = vector.extract_strided_slice %get3A_324 {offsets = [5, 0, 0], sizes = [1, 197, 197], strides = [1, 1, 1]} : vector<8x197x197xbf16> to vector<1x197x197xbf16>
    %squeeze3A_351 = vector.shape_cast %slice3A_350 : vector<1x197x197xbf16> to vector<197x197xbf16>
    %dot_general3A_352 = arith.constant dense<0.000000e+00> : vector<197x197xf32>
    %dot_general3A_353 = tpu.matmul %squeeze3A_351, %convert_element_type3A_308, %dot_general3A_352 {dimension_numbers = #tpu.dot_dimension_numbers<[1], [0], [0], [1], [0, 0, 1, 1], [], []>, transpose_lhs_hint = false} : vector<197x197xbf16>, vector<197x197xbf16>, vector<197x197xf32> -> vector<197x197xf32>
    %convert_element_type3A_354 = arith.truncf %dot_general3A_353 : vector<197x197xf32> to vector<197x197xbf16>
    %slice3A_355 = vector.extract_strided_slice %get3A_324 {offsets = [6, 0, 0], sizes = [1, 197, 197], strides = [1, 1, 1]} : vector<8x197x197xbf16> to vector<1x197x197xbf16>
    %squeeze3A_356 = vector.shape_cast %slice3A_355 : vector<1x197x197xbf16> to vector<197x197xbf16>
    %dot_general3A_357 = arith.constant dense<0.000000e+00> : vector<197x197xf32>
    %dot_general3A_358 = tpu.matmul %squeeze3A_356, %convert_element_type3A_313, %dot_general3A_357 {dimension_numbers = #tpu.dot_dimension_numbers<[1], [0], [0], [1], [0, 0, 1, 1], [], []>, transpose_lhs_hint = false} : vector<197x197xbf16>, vector<197x197xbf16>, vector<197x197xf32> -> vector<197x197xf32>
    %convert_element_type3A_359 = arith.truncf %dot_general3A_358 : vector<197x197xf32> to vector<197x197xbf16>
    %slice3A_360 = vector.extract_strided_slice %get3A_324 {offsets = [7, 0, 0], sizes = [1, 197, 197], strides = [1, 1, 1]} : vector<8x197x197xbf16> to vector<1x197x197xbf16>
    %squeeze3A_361 = vector.shape_cast %slice3A_360 : vector<1x197x197xbf16> to vector<197x197xbf16>
    %dot_general3A_362 = arith.constant dense<0.000000e+00> : vector<197x197xf32>
    %dot_general3A_363 = tpu.matmul %squeeze3A_361, %convert_element_type3A_318, %dot_general3A_362 {dimension_numbers = #tpu.dot_dimension_numbers<[1], [0], [0], [1], [0, 0, 1, 1], [], []>, transpose_lhs_hint = false} : vector<197x197xbf16>, vector<197x197xbf16>, vector<197x197xf32> -> vector<197x197xf32>
    %convert_element_type3A_364 = arith.truncf %dot_general3A_363 : vector<197x197xf32> to vector<197x197xbf16>
    %get3A_365 = arith.constant 8 : index
    %get3A_366 = arith.constant 0 : index
    %get3A_367 = arith.constant 0 : index
    %get3A_368 = arith.constant 0 : index
    %get3A_369 = vector.load %arg1[%get3A_365, %get3A_366, %get3A_367, %get3A_368] : memref<12x8x197x197xbf16, #tpu.memory_space<vmem>>, vector<1x8x197x197xbf16>
    %get3A_370 = vector.shape_cast %get3A_369 : vector<1x8x197x197xbf16> to vector<8x197x197xbf16>
    %slice3A_371 = vector.extract_strided_slice %get3A_370 {offsets = [0, 0, 0], sizes = [1, 197, 197], strides = [1, 1, 1]} : vector<8x197x197xbf16> to vector<1x197x197xbf16>
    %squeeze3A_372 = vector.shape_cast %slice3A_371 : vector<1x197x197xbf16> to vector<197x197xbf16>
    %dot_general3A_373 = arith.constant dense<0.000000e+00> : vector<197x197xf32>
    %dot_general3A_374 = tpu.matmul %squeeze3A_372, %convert_element_type3A_329, %dot_general3A_373 {dimension_numbers = #tpu.dot_dimension_numbers<[1], [0], [0], [1], [0, 0, 1, 1], [], []>, transpose_lhs_hint = false} : vector<197x197xbf16>, vector<197x197xbf16>, vector<197x197xf32> -> vector<197x197xf32>
    %convert_element_type3A_375 = arith.truncf %dot_general3A_374 : vector<197x197xf32> to vector<197x197xbf16>
    %slice3A_376 = vector.extract_strided_slice %get3A_370 {offsets = [1, 0, 0], sizes = [1, 197, 197], strides = [1, 1, 1]} : vector<8x197x197xbf16> to vector<1x197x197xbf16>
    %squeeze3A_377 = vector.shape_cast %slice3A_376 : vector<1x197x197xbf16> to vector<197x197xbf16>
    %dot_general3A_378 = arith.constant dense<0.000000e+00> : vector<197x197xf32>
    %dot_general3A_379 = tpu.matmul %squeeze3A_377, %convert_element_type3A_334, %dot_general3A_378 {dimension_numbers = #tpu.dot_dimension_numbers<[1], [0], [0], [1], [0, 0, 1, 1], [], []>, transpose_lhs_hint = false} : vector<197x197xbf16>, vector<197x197xbf16>, vector<197x197xf32> -> vector<197x197xf32>
    %convert_element_type3A_380 = arith.truncf %dot_general3A_379 : vector<197x197xf32> to vector<197x197xbf16>
    %slice3A_381 = vector.extract_strided_slice %get3A_370 {offsets = [2, 0, 0], sizes = [1, 197, 197], strides = [1, 1, 1]} : vector<8x197x197xbf16> to vector<1x197x197xbf16>
    %squeeze3A_382 = vector.shape_cast %slice3A_381 : vector<1x197x197xbf16> to vector<197x197xbf16>
    %dot_general3A_383 = arith.constant dense<0.000000e+00> : vector<197x197xf32>
    %dot_general3A_384 = tpu.matmul %squeeze3A_382, %convert_element_type3A_339, %dot_general3A_383 {dimension_numbers = #tpu.dot_dimension_numbers<[1], [0], [0], [1], [0, 0, 1, 1], [], []>, transpose_lhs_hint = false} : vector<197x197xbf16>, vector<197x197xbf16>, vector<197x197xf32> -> vector<197x197xf32>
    %convert_element_type3A_385 = arith.truncf %dot_general3A_384 : vector<197x197xf32> to vector<197x197xbf16>
    %slice3A_386 = vector.extract_strided_slice %get3A_370 {offsets = [3, 0, 0], sizes = [1, 197, 197], strides = [1, 1, 1]} : vector<8x197x197xbf16> to vector<1x197x197xbf16>
    %squeeze3A_387 = vector.shape_cast %slice3A_386 : vector<1x197x197xbf16> to vector<197x197xbf16>
    %dot_general3A_388 = arith.constant dense<0.000000e+00> : vector<197x197xf32>
    %dot_general3A_389 = tpu.matmul %squeeze3A_387, %convert_element_type3A_344, %dot_general3A_388 {dimension_numbers = #tpu.dot_dimension_numbers<[1], [0], [0], [1], [0, 0, 1, 1], [], []>, transpose_lhs_hint = false} : vector<197x197xbf16>, vector<197x197xbf16>, vector<197x197xf32> -> vector<197x197xf32>
    %convert_element_type3A_390 = arith.truncf %dot_general3A_389 : vector<197x197xf32> to vector<197x197xbf16>
    %slice3A_391 = vector.extract_strided_slice %get3A_370 {offsets = [4, 0, 0], sizes = [1, 197, 197], strides = [1, 1, 1]} : vector<8x197x197xbf16> to vector<1x197x197xbf16>
    %squeeze3A_392 = vector.shape_cast %slice3A_391 : vector<1x197x197xbf16> to vector<197x197xbf16>
    %dot_general3A_393 = arith.constant dense<0.000000e+00> : vector<197x197xf32>
    %dot_general3A_394 = tpu.matmul %squeeze3A_392, %convert_element_type3A_349, %dot_general3A_393 {dimension_numbers = #tpu.dot_dimension_numbers<[1], [0], [0], [1], [0, 0, 1, 1], [], []>, transpose_lhs_hint = false} : vector<197x197xbf16>, vector<197x197xbf16>, vector<197x197xf32> -> vector<197x197xf32>
    %convert_element_type3A_395 = arith.truncf %dot_general3A_394 : vector<197x197xf32> to vector<197x197xbf16>
    %slice3A_396 = vector.extract_strided_slice %get3A_370 {offsets = [5, 0, 0], sizes = [1, 197, 197], strides = [1, 1, 1]} : vector<8x197x197xbf16> to vector<1x197x197xbf16>
    %squeeze3A_397 = vector.shape_cast %slice3A_396 : vector<1x197x197xbf16> to vector<197x197xbf16>
    %dot_general3A_398 = arith.constant dense<0.000000e+00> : vector<197x197xf32>
    %dot_general3A_399 = tpu.matmul %squeeze3A_397, %convert_element_type3A_354, %dot_general3A_398 {dimension_numbers = #tpu.dot_dimension_numbers<[1], [0], [0], [1], [0, 0, 1, 1], [], []>, transpose_lhs_hint = false} : vector<197x197xbf16>, vector<197x197xbf16>, vector<197x197xf32> -> vector<197x197xf32>
    %convert_element_type3A_400 = arith.truncf %dot_general3A_399 : vector<197x197xf32> to vector<197x197xbf16>
    %slice3A_401 = vector.extract_strided_slice %get3A_370 {offsets = [6, 0, 0], sizes = [1, 197, 197], strides = [1, 1, 1]} : vector<8x197x197xbf16> to vector<1x197x197xbf16>
    %squeeze3A_402 = vector.shape_cast %slice3A_401 : vector<1x197x197xbf16> to vector<197x197xbf16>
    %dot_general3A_403 = arith.constant dense<0.000000e+00> : vector<197x197xf32>
    %dot_general3A_404 = tpu.matmul %squeeze3A_402, %convert_element_type3A_359, %dot_general3A_403 {dimension_numbers = #tpu.dot_dimension_numbers<[1], [0], [0], [1], [0, 0, 1, 1], [], []>, transpose_lhs_hint = false} : vector<197x197xbf16>, vector<197x197xbf16>, vector<197x197xf32> -> vector<197x197xf32>
    %convert_element_type3A_405 = arith.truncf %dot_general3A_404 : vector<197x197xf32> to vector<197x197xbf16>
    %slice3A_406 = vector.extract_strided_slice %get3A_370 {offsets = [7, 0, 0], sizes = [1, 197, 197], strides = [1, 1, 1]} : vector<8x197x197xbf16> to vector<1x197x197xbf16>
    %squeeze3A_407 = vector.shape_cast %slice3A_406 : vector<1x197x197xbf16> to vector<197x197xbf16>
    %dot_general3A_408 = arith.constant dense<0.000000e+00> : vector<197x197xf32>
    %dot_general3A_409 = tpu.matmul %squeeze3A_407, %convert_element_type3A_364, %dot_general3A_408 {dimension_numbers = #tpu.dot_dimension_numbers<[1], [0], [0], [1], [0, 0, 1, 1], [], []>, transpose_lhs_hint = false} : vector<197x197xbf16>, vector<197x197xbf16>, vector<197x197xf32> -> vector<197x197xf32>
    %convert_element_type3A_410 = arith.truncf %dot_general3A_409 : vector<197x197xf32> to vector<197x197xbf16>
    %get3A_411 = arith.constant 9 : index
    %get3A_412 = arith.constant 0 : index
    %get3A_413 = arith.constant 0 : index
    %get3A_414 = arith.constant 0 : index
    %get3A_415 = vector.load %arg1[%get3A_411, %get3A_412, %get3A_413, %get3A_414] : memref<12x8x197x197xbf16, #tpu.memory_space<vmem>>, vector<1x8x197x197xbf16>
    %get3A_416 = vector.shape_cast %get3A_415 : vector<1x8x197x197xbf16> to vector<8x197x197xbf16>
    %slice3A_417 = vector.extract_strided_slice %get3A_416 {offsets = [0, 0, 0], sizes = [1, 197, 197], strides = [1, 1, 1]} : vector<8x197x197xbf16> to vector<1x197x197xbf16>
    %squeeze3A_418 = vector.shape_cast %slice3A_417 : vector<1x197x197xbf16> to vector<197x197xbf16>
    %dot_general3A_419 = arith.constant dense<0.000000e+00> : vector<197x197xf32>
    %dot_general3A_420 = tpu.matmul %squeeze3A_418, %convert_element_type3A_375, %dot_general3A_419 {dimension_numbers = #tpu.dot_dimension_numbers<[1], [0], [0], [1], [0, 0, 1, 1], [], []>, transpose_lhs_hint = false} : vector<197x197xbf16>, vector<197x197xbf16>, vector<197x197xf32> -> vector<197x197xf32>
    %convert_element_type3A_421 = arith.truncf %dot_general3A_420 : vector<197x197xf32> to vector<197x197xbf16>
    %slice3A_422 = vector.extract_strided_slice %get3A_416 {offsets = [1, 0, 0], sizes = [1, 197, 197], strides = [1, 1, 1]} : vector<8x197x197xbf16> to vector<1x197x197xbf16>
    %squeeze3A_423 = vector.shape_cast %slice3A_422 : vector<1x197x197xbf16> to vector<197x197xbf16>
    %dot_general3A_424 = arith.constant dense<0.000000e+00> : vector<197x197xf32>
    %dot_general3A_425 = tpu.matmul %squeeze3A_423, %convert_element_type3A_380, %dot_general3A_424 {dimension_numbers = #tpu.dot_dimension_numbers<[1], [0], [0], [1], [0, 0, 1, 1], [], []>, transpose_lhs_hint = false} : vector<197x197xbf16>, vector<197x197xbf16>, vector<197x197xf32> -> vector<197x197xf32>
    %convert_element_type3A_426 = arith.truncf %dot_general3A_425 : vector<197x197xf32> to vector<197x197xbf16>
    %slice3A_427 = vector.extract_strided_slice %get3A_416 {offsets = [2, 0, 0], sizes = [1, 197, 197], strides = [1, 1, 1]} : vector<8x197x197xbf16> to vector<1x197x197xbf16>
    %squeeze3A_428 = vector.shape_cast %slice3A_427 : vector<1x197x197xbf16> to vector<197x197xbf16>
    %dot_general3A_429 = arith.constant dense<0.000000e+00> : vector<197x197xf32>
    %dot_general3A_430 = tpu.matmul %squeeze3A_428, %convert_element_type3A_385, %dot_general3A_429 {dimension_numbers = #tpu.dot_dimension_numbers<[1], [0], [0], [1], [0, 0, 1, 1], [], []>, transpose_lhs_hint = false} : vector<197x197xbf16>, vector<197x197xbf16>, vector<197x197xf32> -> vector<197x197xf32>
    %convert_element_type3A_431 = arith.truncf %dot_general3A_430 : vector<197x197xf32> to vector<197x197xbf16>
    %slice3A_432 = vector.extract_strided_slice %get3A_416 {offsets = [3, 0, 0], sizes = [1, 197, 197], strides = [1, 1, 1]} : vector<8x197x197xbf16> to vector<1x197x197xbf16>
    %squeeze3A_433 = vector.shape_cast %slice3A_432 : vector<1x197x197xbf16> to vector<197x197xbf16>
    %dot_general3A_434 = arith.constant dense<0.000000e+00> : vector<197x197xf32>
    %dot_general3A_435 = tpu.matmul %squeeze3A_433, %convert_element_type3A_390, %dot_general3A_434 {dimension_numbers = #tpu.dot_dimension_numbers<[1], [0], [0], [1], [0, 0, 1, 1], [], []>, transpose_lhs_hint = false} : vector<197x197xbf16>, vector<197x197xbf16>, vector<197x197xf32> -> vector<197x197xf32>
    %convert_element_type3A_436 = arith.truncf %dot_general3A_435 : vector<197x197xf32> to vector<197x197xbf16>
    %slice3A_437 = vector.extract_strided_slice %get3A_416 {offsets = [4, 0, 0], sizes = [1, 197, 197], strides = [1, 1, 1]} : vector<8x197x197xbf16> to vector<1x197x197xbf16>
    %squeeze3A_438 = vector.shape_cast %slice3A_437 : vector<1x197x197xbf16> to vector<197x197xbf16>
    %dot_general3A_439 = arith.constant dense<0.000000e+00> : vector<197x197xf32>
    %dot_general3A_440 = tpu.matmul %squeeze3A_438, %convert_element_type3A_395, %dot_general3A_439 {dimension_numbers = #tpu.dot_dimension_numbers<[1], [0], [0], [1], [0, 0, 1, 1], [], []>, transpose_lhs_hint = false} : vector<197x197xbf16>, vector<197x197xbf16>, vector<197x197xf32> -> vector<197x197xf32>
    %convert_element_type3A_441 = arith.truncf %dot_general3A_440 : vector<197x197xf32> to vector<197x197xbf16>
    %slice3A_442 = vector.extract_strided_slice %get3A_416 {offsets = [5, 0, 0], sizes = [1, 197, 197], strides = [1, 1, 1]} : vector<8x197x197xbf16> to vector<1x197x197xbf16>
    %squeeze3A_443 = vector.shape_cast %slice3A_442 : vector<1x197x197xbf16> to vector<197x197xbf16>
    %dot_general3A_444 = arith.constant dense<0.000000e+00> : vector<197x197xf32>
    %dot_general3A_445 = tpu.matmul %squeeze3A_443, %convert_element_type3A_400, %dot_general3A_444 {dimension_numbers = #tpu.dot_dimension_numbers<[1], [0], [0], [1], [0, 0, 1, 1], [], []>, transpose_lhs_hint = false} : vector<197x197xbf16>, vector<197x197xbf16>, vector<197x197xf32> -> vector<197x197xf32>
    %convert_element_type3A_446 = arith.truncf %dot_general3A_445 : vector<197x197xf32> to vector<197x197xbf16>
    %slice3A_447 = vector.extract_strided_slice %get3A_416 {offsets = [6, 0, 0], sizes = [1, 197, 197], strides = [1, 1, 1]} : vector<8x197x197xbf16> to vector<1x197x197xbf16>
    %squeeze3A_448 = vector.shape_cast %slice3A_447 : vector<1x197x197xbf16> to vector<197x197xbf16>
    %dot_general3A_449 = arith.constant dense<0.000000e+00> : vector<197x197xf32>
    %dot_general3A_450 = tpu.matmul %squeeze3A_448, %convert_element_type3A_405, %dot_general3A_449 {dimension_numbers = #tpu.dot_dimension_numbers<[1], [0], [0], [1], [0, 0, 1, 1], [], []>, transpose_lhs_hint = false} : vector<197x197xbf16>, vector<197x197xbf16>, vector<197x197xf32> -> vector<197x197xf32>
    %convert_element_type3A_451 = arith.truncf %dot_general3A_450 : vector<197x197xf32> to vector<197x197xbf16>
    %slice3A_452 = vector.extract_strided_slice %get3A_416 {offsets = [7, 0, 0], sizes = [1, 197, 197], strides = [1, 1, 1]} : vector<8x197x197xbf16> to vector<1x197x197xbf16>
    %squeeze3A_453 = vector.shape_cast %slice3A_452 : vector<1x197x197xbf16> to vector<197x197xbf16>
    %dot_general3A_454 = arith.constant dense<0.000000e+00> : vector<197x197xf32>
    %dot_general3A_455 = tpu.matmul %squeeze3A_453, %convert_element_type3A_410, %dot_general3A_454 {dimension_numbers = #tpu.dot_dimension_numbers<[1], [0], [0], [1], [0, 0, 1, 1], [], []>, transpose_lhs_hint = false} : vector<197x197xbf16>, vector<197x197xbf16>, vector<197x197xf32> -> vector<197x197xf32>
    %convert_element_type3A_456 = arith.truncf %dot_general3A_455 : vector<197x197xf32> to vector<197x197xbf16>
    %get3A_457 = arith.constant 10 : index
    %get3A_458 = arith.constant 0 : index
    %get3A_459 = arith.constant 0 : index
    %get3A_460 = arith.constant 0 : index
    %get3A_461 = vector.load %arg1[%get3A_457, %get3A_458, %get3A_459, %get3A_460] : memref<12x8x197x197xbf16, #tpu.memory_space<vmem>>, vector<1x8x197x197xbf16>
    %get3A_462 = vector.shape_cast %get3A_461 : vector<1x8x197x197xbf16> to vector<8x197x197xbf16>
    %slice3A_463 = vector.extract_strided_slice %get3A_462 {offsets = [0, 0, 0], sizes = [1, 197, 197], strides = [1, 1, 1]} : vector<8x197x197xbf16> to vector<1x197x197xbf16>
    %squeeze3A_464 = vector.shape_cast %slice3A_463 : vector<1x197x197xbf16> to vector<197x197xbf16>
    %dot_general3A_465 = arith.constant dense<0.000000e+00> : vector<197x197xf32>
    %dot_general3A_466 = tpu.matmul %squeeze3A_464, %convert_element_type3A_421, %dot_general3A_465 {dimension_numbers = #tpu.dot_dimension_numbers<[1], [0], [0], [1], [0, 0, 1, 1], [], []>, transpose_lhs_hint = false} : vector<197x197xbf16>, vector<197x197xbf16>, vector<197x197xf32> -> vector<197x197xf32>
    %convert_element_type3A_467 = arith.truncf %dot_general3A_466 : vector<197x197xf32> to vector<197x197xbf16>
    %slice3A_468 = vector.extract_strided_slice %get3A_462 {offsets = [1, 0, 0], sizes = [1, 197, 197], strides = [1, 1, 1]} : vector<8x197x197xbf16> to vector<1x197x197xbf16>
    %squeeze3A_469 = vector.shape_cast %slice3A_468 : vector<1x197x197xbf16> to vector<197x197xbf16>
    %dot_general3A_470 = arith.constant dense<0.000000e+00> : vector<197x197xf32>
    %dot_general3A_471 = tpu.matmul %squeeze3A_469, %convert_element_type3A_426, %dot_general3A_470 {dimension_numbers = #tpu.dot_dimension_numbers<[1], [0], [0], [1], [0, 0, 1, 1], [], []>, transpose_lhs_hint = false} : vector<197x197xbf16>, vector<197x197xbf16>, vector<197x197xf32> -> vector<197x197xf32>
    %convert_element_type3A_472 = arith.truncf %dot_general3A_471 : vector<197x197xf32> to vector<197x197xbf16>
    %slice3A_473 = vector.extract_strided_slice %get3A_462 {offsets = [2, 0, 0], sizes = [1, 197, 197], strides = [1, 1, 1]} : vector<8x197x197xbf16> to vector<1x197x197xbf16>
    %squeeze3A_474 = vector.shape_cast %slice3A_473 : vector<1x197x197xbf16> to vector<197x197xbf16>
    %dot_general3A_475 = arith.constant dense<0.000000e+00> : vector<197x197xf32>
    %dot_general3A_476 = tpu.matmul %squeeze3A_474, %convert_element_type3A_431, %dot_general3A_475 {dimension_numbers = #tpu.dot_dimension_numbers<[1], [0], [0], [1], [0, 0, 1, 1], [], []>, transpose_lhs_hint = false} : vector<197x197xbf16>, vector<197x197xbf16>, vector<197x197xf32> -> vector<197x197xf32>
    %convert_element_type3A_477 = arith.truncf %dot_general3A_476 : vector<197x197xf32> to vector<197x197xbf16>
    %slice3A_478 = vector.extract_strided_slice %get3A_462 {offsets = [3, 0, 0], sizes = [1, 197, 197], strides = [1, 1, 1]} : vector<8x197x197xbf16> to vector<1x197x197xbf16>
    %squeeze3A_479 = vector.shape_cast %slice3A_478 : vector<1x197x197xbf16> to vector<197x197xbf16>
    %dot_general3A_480 = arith.constant dense<0.000000e+00> : vector<197x197xf32>
    %dot_general3A_481 = tpu.matmul %squeeze3A_479, %convert_element_type3A_436, %dot_general3A_480 {dimension_numbers = #tpu.dot_dimension_numbers<[1], [0], [0], [1], [0, 0, 1, 1], [], []>, transpose_lhs_hint = false} : vector<197x197xbf16>, vector<197x197xbf16>, vector<197x197xf32> -> vector<197x197xf32>
    %convert_element_type3A_482 = arith.truncf %dot_general3A_481 : vector<197x197xf32> to vector<197x197xbf16>
    %slice3A_483 = vector.extract_strided_slice %get3A_462 {offsets = [4, 0, 0], sizes = [1, 197, 197], strides = [1, 1, 1]} : vector<8x197x197xbf16> to vector<1x197x197xbf16>
    %squeeze3A_484 = vector.shape_cast %slice3A_483 : vector<1x197x197xbf16> to vector<197x197xbf16>
    %dot_general3A_485 = arith.constant dense<0.000000e+00> : vector<197x197xf32>
    %dot_general3A_486 = tpu.matmul %squeeze3A_484, %convert_element_type3A_441, %dot_general3A_485 {dimension_numbers = #tpu.dot_dimension_numbers<[1], [0], [0], [1], [0, 0, 1, 1], [], []>, transpose_lhs_hint = false} : vector<197x197xbf16>, vector<197x197xbf16>, vector<197x197xf32> -> vector<197x197xf32>
    %convert_element_type3A_487 = arith.truncf %dot_general3A_486 : vector<197x197xf32> to vector<197x197xbf16>
    %slice3A_488 = vector.extract_strided_slice %get3A_462 {offsets = [5, 0, 0], sizes = [1, 197, 197], strides = [1, 1, 1]} : vector<8x197x197xbf16> to vector<1x197x197xbf16>
    %squeeze3A_489 = vector.shape_cast %slice3A_488 : vector<1x197x197xbf16> to vector<197x197xbf16>
    %dot_general3A_490 = arith.constant dense<0.000000e+00> : vector<197x197xf32>
    %dot_general3A_491 = tpu.matmul %squeeze3A_489, %convert_element_type3A_446, %dot_general3A_490 {dimension_numbers = #tpu.dot_dimension_numbers<[1], [0], [0], [1], [0, 0, 1, 1], [], []>, transpose_lhs_hint = false} : vector<197x197xbf16>, vector<197x197xbf16>, vector<197x197xf32> -> vector<197x197xf32>
    %convert_element_type3A_492 = arith.truncf %dot_general3A_491 : vector<197x197xf32> to vector<197x197xbf16>
    %slice3A_493 = vector.extract_strided_slice %get3A_462 {offsets = [6, 0, 0], sizes = [1, 197, 197], strides = [1, 1, 1]} : vector<8x197x197xbf16> to vector<1x197x197xbf16>
    %squeeze3A_494 = vector.shape_cast %slice3A_493 : vector<1x197x197xbf16> to vector<197x197xbf16>
    %dot_general3A_495 = arith.constant dense<0.000000e+00> : vector<197x197xf32>
    %dot_general3A_496 = tpu.matmul %squeeze3A_494, %convert_element_type3A_451, %dot_general3A_495 {dimension_numbers = #tpu.dot_dimension_numbers<[1], [0], [0], [1], [0, 0, 1, 1], [], []>, transpose_lhs_hint = false} : vector<197x197xbf16>, vector<197x197xbf16>, vector<197x197xf32> -> vector<197x197xf32>
    %convert_element_type3A_497 = arith.truncf %dot_general3A_496 : vector<197x197xf32> to vector<197x197xbf16>
    %slice3A_498 = vector.extract_strided_slice %get3A_462 {offsets = [7, 0, 0], sizes = [1, 197, 197], strides = [1, 1, 1]} : vector<8x197x197xbf16> to vector<1x197x197xbf16>
    %squeeze3A_499 = vector.shape_cast %slice3A_498 : vector<1x197x197xbf16> to vector<197x197xbf16>
    %dot_general3A_500 = arith.constant dense<0.000000e+00> : vector<197x197xf32>
    %dot_general3A_501 = tpu.matmul %squeeze3A_499, %convert_element_type3A_456, %dot_general3A_500 {dimension_numbers = #tpu.dot_dimension_numbers<[1], [0], [0], [1], [0, 0, 1, 1], [], []>, transpose_lhs_hint = false} : vector<197x197xbf16>, vector<197x197xbf16>, vector<197x197xf32> -> vector<197x197xf32>
    %convert_element_type3A_502 = arith.truncf %dot_general3A_501 : vector<197x197xf32> to vector<197x197xbf16>
    %get3A_503 = arith.constant 11 : index
    %get3A_504 = arith.constant 0 : index
    %get3A_505 = arith.constant 0 : index
    %get3A_506 = arith.constant 0 : index
    %get3A_507 = vector.load %arg1[%get3A_503, %get3A_504, %get3A_505, %get3A_506] : memref<12x8x197x197xbf16, #tpu.memory_space<vmem>>, vector<1x1x1x197xbf16>
    %get3A_508 = vector.shape_cast %get3A_507 : vector<1x1x1x197xbf16> to vector<1x197xbf16>
    %dot_general3A_509 = arith.constant dense<0.000000e+00> : vector<1x197xf32>
    %dot_general3A_510 = tpu.matmul %get3A_508, %convert_element_type3A_467, %dot_general3A_509 {dimension_numbers = #tpu.dot_dimension_numbers<[1], [0], [0], [1], [0, 0, 1, 1], [], []>, transpose_lhs_hint = false} : vector<1x197xbf16>, vector<197x197xbf16>, vector<1x197xf32> -> vector<1x197xf32>
    %get3A_511 = arith.constant 11 : index
    %get3A_512 = arith.constant 1 : index
    %get3A_513 = arith.constant 0 : index
    %get3A_514 = arith.constant 0 : index
    %get3A_515 = vector.load %arg1[%get3A_511, %get3A_512, %get3A_513, %get3A_514] : memref<12x8x197x197xbf16, #tpu.memory_space<vmem>>, vector<1x1x1x197xbf16>
    %get3A_516 = vector.shape_cast %get3A_515 : vector<1x1x1x197xbf16> to vector<1x197xbf16>
    %dot_general3A_517 = arith.constant dense<0.000000e+00> : vector<1x197xf32>
    %dot_general3A_518 = tpu.matmul %get3A_516, %convert_element_type3A_472, %dot_general3A_517 {dimension_numbers = #tpu.dot_dimension_numbers<[1], [0], [0], [1], [0, 0, 1, 1], [], []>, transpose_lhs_hint = false} : vector<1x197xbf16>, vector<197x197xbf16>, vector<1x197xf32> -> vector<1x197xf32>
    %get3A_519 = arith.constant 11 : index
    %get3A_520 = arith.constant 2 : index
    %get3A_521 = arith.constant 0 : index
    %get3A_522 = arith.constant 0 : index
    %get3A_523 = vector.load %arg1[%get3A_519, %get3A_520, %get3A_521, %get3A_522] : memref<12x8x197x197xbf16, #tpu.memory_space<vmem>>, vector<1x1x1x197xbf16>
    %get3A_524 = vector.shape_cast %get3A_523 : vector<1x1x1x197xbf16> to vector<1x197xbf16>
    %dot_general3A_525 = arith.constant dense<0.000000e+00> : vector<1x197xf32>
    %dot_general3A_526 = tpu.matmul %get3A_524, %convert_element_type3A_477, %dot_general3A_525 {dimension_numbers = #tpu.dot_dimension_numbers<[1], [0], [0], [1], [0, 0, 1, 1], [], []>, transpose_lhs_hint = false} : vector<1x197xbf16>, vector<197x197xbf16>, vector<1x197xf32> -> vector<1x197xf32>
    %get3A_527 = arith.constant 11 : index
    %get3A_528 = arith.constant 3 : index
    %get3A_529 = arith.constant 0 : index
    %get3A_530 = arith.constant 0 : index
    %get3A_531 = vector.load %arg1[%get3A_527, %get3A_528, %get3A_529, %get3A_530] : memref<12x8x197x197xbf16, #tpu.memory_space<vmem>>, vector<1x1x1x197xbf16>
    %get3A_532 = vector.shape_cast %get3A_531 : vector<1x1x1x197xbf16> to vector<1x197xbf16>
    %dot_general3A_533 = arith.constant dense<0.000000e+00> : vector<1x197xf32>
    %dot_general3A_534 = tpu.matmul %get3A_532, %convert_element_type3A_482, %dot_general3A_533 {dimension_numbers = #tpu.dot_dimension_numbers<[1], [0], [0], [1], [0, 0, 1, 1], [], []>, transpose_lhs_hint = false} : vector<1x197xbf16>, vector<197x197xbf16>, vector<1x197xf32> -> vector<1x197xf32>
    %get3A_535 = arith.constant 11 : index
    %get3A_536 = arith.constant 4 : index
    %get3A_537 = arith.constant 0 : index
    %get3A_538 = arith.constant 0 : index
    %get3A_539 = vector.load %arg1[%get3A_535, %get3A_536, %get3A_537, %get3A_538] : memref<12x8x197x197xbf16, #tpu.memory_space<vmem>>, vector<1x1x1x197xbf16>
    %get3A_540 = vector.shape_cast %get3A_539 : vector<1x1x1x197xbf16> to vector<1x197xbf16>
    %dot_general3A_541 = arith.constant dense<0.000000e+00> : vector<1x197xf32>
    %dot_general3A_542 = tpu.matmul %get3A_540, %convert_element_type3A_487, %dot_general3A_541 {dimension_numbers = #tpu.dot_dimension_numbers<[1], [0], [0], [1], [0, 0, 1, 1], [], []>, transpose_lhs_hint = false} : vector<1x197xbf16>, vector<197x197xbf16>, vector<1x197xf32> -> vector<1x197xf32>
    %get3A_543 = arith.constant 11 : index
    %get3A_544 = arith.constant 5 : index
    %get3A_545 = arith.constant 0 : index
    %get3A_546 = arith.constant 0 : index
    %get3A_547 = vector.load %arg1[%get3A_543, %get3A_544, %get3A_545, %get3A_546] : memref<12x8x197x197xbf16, #tpu.memory_space<vmem>>, vector<1x1x1x197xbf16>
    %get3A_548 = vector.shape_cast %get3A_547 : vector<1x1x1x197xbf16> to vector<1x197xbf16>
    %dot_general3A_549 = arith.constant dense<0.000000e+00> : vector<1x197xf32>
    %dot_general3A_550 = tpu.matmul %get3A_548, %convert_element_type3A_492, %dot_general3A_549 {dimension_numbers = #tpu.dot_dimension_numbers<[1], [0], [0], [1], [0, 0, 1, 1], [], []>, transpose_lhs_hint = false} : vector<1x197xbf16>, vector<197x197xbf16>, vector<1x197xf32> -> vector<1x197xf32>
    %get3A_551 = arith.constant 11 : index
    %get3A_552 = arith.constant 6 : index
    %get3A_553 = arith.constant 0 : index
    %get3A_554 = arith.constant 0 : index
    %get3A_555 = vector.load %arg1[%get3A_551, %get3A_552, %get3A_553, %get3A_554] : memref<12x8x197x197xbf16, #tpu.memory_space<vmem>>, vector<1x1x1x197xbf16>
    %get3A_556 = vector.shape_cast %get3A_555 : vector<1x1x1x197xbf16> to vector<1x197xbf16>
    %dot_general3A_557 = arith.constant dense<0.000000e+00> : vector<1x197xf32>
    %dot_general3A_558 = tpu.matmul %get3A_556, %convert_element_type3A_497, %dot_general3A_557 {dimension_numbers = #tpu.dot_dimension_numbers<[1], [0], [0], [1], [0, 0, 1, 1], [], []>, transpose_lhs_hint = false} : vector<1x197xbf16>, vector<197x197xbf16>, vector<1x197xf32> -> vector<1x197xf32>
    %get3A_559 = arith.constant 11 : index
    %get3A_560 = arith.constant 7 : index
    %get3A_561 = arith.constant 0 : index
    %get3A_562 = arith.constant 0 : index
    %get3A_563 = vector.load %arg1[%get3A_559, %get3A_560, %get3A_561, %get3A_562] : memref<12x8x197x197xbf16, #tpu.memory_space<vmem>>, vector<1x1x1x197xbf16>
    %get3A_564 = vector.shape_cast %get3A_563 : vector<1x1x1x197xbf16> to vector<1x197xbf16>
    %dot_general3A_565 = arith.constant dense<0.000000e+00> : vector<1x197xf32>
    %dot_general3A_566 = tpu.matmul %get3A_564, %convert_element_type3A_502, %dot_general3A_565 {dimension_numbers = #tpu.dot_dimension_numbers<[1], [0], [0], [1], [0, 0, 1, 1], [], []>, transpose_lhs_hint = false} : vector<1x197xbf16>, vector<197x197xbf16>, vector<1x197xf32> -> vector<1x197xf32>
    %concatenate3A = tpu.concatenate %dot_general3A_510, %dot_general3A_518, %dot_general3A_526, %dot_general3A_534, %dot_general3A_542, %dot_general3A_550, %dot_general3A_558, %dot_general3A_566 in 0 : vector<1x197xf32>, vector<1x197xf32>, vector<1x197xf32>, vector<1x197xf32>, vector<1x197xf32>, vector<1x197xf32>, vector<1x197xf32>, vector<1x197xf32> -> vector<8x197xf32>
    %iota3A = tpu.iota {dimensions = array<i32: 1>} : vector<8x197xi32>
    %eq3A = arith.constant 0 : i32
    %eq3A_567 = vector.broadcast %eq3A : i32 to vector<8x197xi32>
    %eq3A_568 = arith.cmpi eq, %iota3A, %eq3A_567 : vector<8x197xi32>
    %jit3A = arith.constant 0xFF800000 : f32
    %broadcast_in_dim3A = vector.broadcast %jit3A : f32 to vector<8x197xf32>
    %select_n3A = arith.select %eq3A_568, %broadcast_in_dim3A, %concatenate3A : vector<8x197xi1>, vector<8x197xf32>
    %iota3A_569 = tpu.iota {dimensions = array<i32: 1>} : vector<8x8xi32>
    %broadcast_in_dim3A_570 = arith.constant 0.000000e+00 : f32
    %broadcast_in_dim3A_571 = vector.broadcast %broadcast_in_dim3A_570 : f32 to vector<8x8xf32>
    %broadcast_in_dim3A_572 = arith.constant 0 : i32
    %broadcast_in_dim3A_573 = vector.broadcast %broadcast_in_dim3A_572 : i32 to vector<8x8xi32>
    %reduce_max3A = arith.constant dense<0xFF800000> : vector<8xf32>
    %reduce_max3A_574 = vector.multi_reduction <maximumf>, %select_n3A, %reduce_max3A [1] : vector<8x197xf32> to vector<8xf32>
    %broadcast_in_dim3A_575 = vector.shape_cast %reduce_max3A_574 : vector<8xf32> to vector<8x1xf32>
    %eq3A_576 = vector.broadcast %broadcast_in_dim3A_575 : vector<8x1xf32> to vector<8x197xf32>
    %eq3A_577 = arith.cmpf oeq, %select_n3A, %eq3A_576 : vector<8x197xf32>
    %jit3A_578 = arith.constant 1000000000 : i32
    %broadcast_in_dim3A_579 = vector.broadcast %jit3A_578 : i32 to vector<8x197xi32>
    %select_n3A_580 = arith.select %eq3A_577, %iota3A, %broadcast_in_dim3A_579 : vector<8x197xi1>, vector<8x197xi32>
    %reduce_min3A = arith.constant dense<2147483647> : vector<8xi32>
    %reduce_min3A_581 = vector.multi_reduction <minsi>, %select_n3A_580, %reduce_min3A [1] : vector<8x197xi32> to vector<8xi32>
    %broadcast_in_dim3A_582 = vector.shape_cast %reduce_min3A_581 : vector<8xi32> to vector<8x1xi32>
    %eq3A_583 = arith.constant 0 : i32
    %eq3A_584 = vector.broadcast %eq3A_583 : i32 to vector<8x8xi32>
    %eq3A_585 = arith.cmpi eq, %iota3A_569, %eq3A_584 : vector<8x8xi32>
    %broadcast_in_dim3A_586 = vector.shape_cast %broadcast_in_dim3A_575 : vector<8x1xf32> to vector<8x1xf32>
    %broadcast_in_dim3A_587 = vector.broadcast %broadcast_in_dim3A_586 : vector<8x1xf32> to vector<8x8xf32>
    %select_n3A_588 = arith.select %eq3A_585, %broadcast_in_dim3A_587, %broadcast_in_dim3A_571 : vector<8x8xi1>, vector<8x8xf32>
    %eq3A_589 = arith.constant 0 : i32
    %eq3A_590 = vector.broadcast %eq3A_589 : i32 to vector<8x8xi32>
    %eq3A_591 = arith.cmpi eq, %iota3A_569, %eq3A_590 : vector<8x8xi32>
    %sub3A = arith.constant 1 : i32
    %sub3A_592 = vector.broadcast %sub3A : i32 to vector<8x1xi32>
    %sub3A_593 = arith.subi %broadcast_in_dim3A_582, %sub3A_592 : vector<8x1xi32>
    %broadcast_in_dim3A_594 = vector.shape_cast %sub3A_593 : vector<8x1xi32> to vector<8x1xi32>
    %broadcast_in_dim3A_595 = vector.broadcast %broadcast_in_dim3A_594 : vector<8x1xi32> to vector<8x8xi32>
    %select_n3A_596 = arith.select %eq3A_591, %broadcast_in_dim3A_595, %broadcast_in_dim3A_573 : vector<8x8xi1>, vector<8x8xi32>
    %eq3A_597 = vector.broadcast %broadcast_in_dim3A_582 : vector<8x1xi32> to vector<8x197xi32>
    %eq3A_598 = arith.cmpi eq, %iota3A, %eq3A_597 : vector<8x197xi32>
    %jit3A_599 = arith.constant 0xFF800000 : f32
    %broadcast_in_dim3A_600 = vector.broadcast %jit3A_599 : f32 to vector<8x197xf32>
    %select_n3A_601 = arith.select %eq3A_598, %broadcast_in_dim3A_600, %select_n3A : vector<8x197xi1>, vector<8x197xf32>
    %reduce_max3A_602 = arith.constant dense<0xFF800000> : vector<8xf32>
    %reduce_max3A_603 = vector.multi_reduction <maximumf>, %select_n3A_601, %reduce_max3A_602 [1] : vector<8x197xf32> to vector<8xf32>
    %broadcast_in_dim3A_604 = vector.shape_cast %reduce_max3A_603 : vector<8xf32> to vector<8x1xf32>
    %eq3A_605 = vector.broadcast %broadcast_in_dim3A_604 : vector<8x1xf32> to vector<8x197xf32>
    %eq3A_606 = arith.cmpf oeq, %select_n3A_601, %eq3A_605 : vector<8x197xf32>
    %jit3A_607 = arith.constant 1000000000 : i32
    %broadcast_in_dim3A_608 = vector.broadcast %jit3A_607 : i32 to vector<8x197xi32>
    %select_n3A_609 = arith.select %eq3A_606, %iota3A, %broadcast_in_dim3A_608 : vector<8x197xi1>, vector<8x197xi32>
    %reduce_min3A_610 = arith.constant dense<2147483647> : vector<8xi32>
    %reduce_min3A_611 = vector.multi_reduction <minsi>, %select_n3A_609, %reduce_min3A_610 [1] : vector<8x197xi32> to vector<8xi32>
    %broadcast_in_dim3A_612 = vector.shape_cast %reduce_min3A_611 : vector<8xi32> to vector<8x1xi32>
    %eq3A_613 = arith.constant 1 : i32
    %eq3A_614 = vector.broadcast %eq3A_613 : i32 to vector<8x8xi32>
    %eq3A_615 = arith.cmpi eq, %iota3A_569, %eq3A_614 : vector<8x8xi32>
    %broadcast_in_dim3A_616 = vector.shape_cast %broadcast_in_dim3A_604 : vector<8x1xf32> to vector<8x1xf32>
    %broadcast_in_dim3A_617 = vector.broadcast %broadcast_in_dim3A_616 : vector<8x1xf32> to vector<8x8xf32>
    %select_n3A_618 = arith.select %eq3A_615, %broadcast_in_dim3A_617, %select_n3A_588 : vector<8x8xi1>, vector<8x8xf32>
    %eq3A_619 = arith.constant 1 : i32
    %eq3A_620 = vector.broadcast %eq3A_619 : i32 to vector<8x8xi32>
    %eq3A_621 = arith.cmpi eq, %iota3A_569, %eq3A_620 : vector<8x8xi32>
    %sub3A_622 = arith.constant 1 : i32
    %sub3A_623 = vector.broadcast %sub3A_622 : i32 to vector<8x1xi32>
    %sub3A_624 = arith.subi %broadcast_in_dim3A_612, %sub3A_623 : vector<8x1xi32>
    %broadcast_in_dim3A_625 = vector.shape_cast %sub3A_624 : vector<8x1xi32> to vector<8x1xi32>
    %broadcast_in_dim3A_626 = vector.broadcast %broadcast_in_dim3A_625 : vector<8x1xi32> to vector<8x8xi32>
    %select_n3A_627 = arith.select %eq3A_621, %broadcast_in_dim3A_626, %select_n3A_596 : vector<8x8xi1>, vector<8x8xi32>
    %eq3A_628 = vector.broadcast %broadcast_in_dim3A_612 : vector<8x1xi32> to vector<8x197xi32>
    %eq3A_629 = arith.cmpi eq, %iota3A, %eq3A_628 : vector<8x197xi32>
    %jit3A_630 = arith.constant 0xFF800000 : f32
    %broadcast_in_dim3A_631 = vector.broadcast %jit3A_630 : f32 to vector<8x197xf32>
    %select_n3A_632 = arith.select %eq3A_629, %broadcast_in_dim3A_631, %select_n3A_601 : vector<8x197xi1>, vector<8x197xf32>
    %reduce_max3A_633 = arith.constant dense<0xFF800000> : vector<8xf32>
    %reduce_max3A_634 = vector.multi_reduction <maximumf>, %select_n3A_632, %reduce_max3A_633 [1] : vector<8x197xf32> to vector<8xf32>
    %broadcast_in_dim3A_635 = vector.shape_cast %reduce_max3A_634 : vector<8xf32> to vector<8x1xf32>
    %eq3A_636 = vector.broadcast %broadcast_in_dim3A_635 : vector<8x1xf32> to vector<8x197xf32>
    %eq3A_637 = arith.cmpf oeq, %select_n3A_632, %eq3A_636 : vector<8x197xf32>
    %jit3A_638 = arith.constant 1000000000 : i32
    %broadcast_in_dim3A_639 = vector.broadcast %jit3A_638 : i32 to vector<8x197xi32>
    %select_n3A_640 = arith.select %eq3A_637, %iota3A, %broadcast_in_dim3A_639 : vector<8x197xi1>, vector<8x197xi32>
    %reduce_min3A_641 = arith.constant dense<2147483647> : vector<8xi32>
    %reduce_min3A_642 = vector.multi_reduction <minsi>, %select_n3A_640, %reduce_min3A_641 [1] : vector<8x197xi32> to vector<8xi32>
    %broadcast_in_dim3A_643 = vector.shape_cast %reduce_min3A_642 : vector<8xi32> to vector<8x1xi32>
    %eq3A_644 = arith.constant 2 : i32
    %eq3A_645 = vector.broadcast %eq3A_644 : i32 to vector<8x8xi32>
    %eq3A_646 = arith.cmpi eq, %iota3A_569, %eq3A_645 : vector<8x8xi32>
    %broadcast_in_dim3A_647 = vector.shape_cast %broadcast_in_dim3A_635 : vector<8x1xf32> to vector<8x1xf32>
    %broadcast_in_dim3A_648 = vector.broadcast %broadcast_in_dim3A_647 : vector<8x1xf32> to vector<8x8xf32>
    %select_n3A_649 = arith.select %eq3A_646, %broadcast_in_dim3A_648, %select_n3A_618 : vector<8x8xi1>, vector<8x8xf32>
    %eq3A_650 = arith.constant 2 : i32
    %eq3A_651 = vector.broadcast %eq3A_650 : i32 to vector<8x8xi32>
    %eq3A_652 = arith.cmpi eq, %iota3A_569, %eq3A_651 : vector<8x8xi32>
    %sub3A_653 = arith.constant 1 : i32
    %sub3A_654 = vector.broadcast %sub3A_653 : i32 to vector<8x1xi32>
    %sub3A_655 = arith.subi %broadcast_in_dim3A_643, %sub3A_654 : vector<8x1xi32>
    %broadcast_in_dim3A_656 = vector.shape_cast %sub3A_655 : vector<8x1xi32> to vector<8x1xi32>
    %broadcast_in_dim3A_657 = vector.broadcast %broadcast_in_dim3A_656 : vector<8x1xi32> to vector<8x8xi32>
    %select_n3A_658 = arith.select %eq3A_652, %broadcast_in_dim3A_657, %select_n3A_627 : vector<8x8xi1>, vector<8x8xi32>
    %eq3A_659 = vector.broadcast %broadcast_in_dim3A_643 : vector<8x1xi32> to vector<8x197xi32>
    %eq3A_660 = arith.cmpi eq, %iota3A, %eq3A_659 : vector<8x197xi32>
    %jit3A_661 = arith.constant 0xFF800000 : f32
    %broadcast_in_dim3A_662 = vector.broadcast %jit3A_661 : f32 to vector<8x197xf32>
    %select_n3A_663 = arith.select %eq3A_660, %broadcast_in_dim3A_662, %select_n3A_632 : vector<8x197xi1>, vector<8x197xf32>
    %reduce_max3A_664 = arith.constant dense<0xFF800000> : vector<8xf32>
    %reduce_max3A_665 = vector.multi_reduction <maximumf>, %select_n3A_663, %reduce_max3A_664 [1] : vector<8x197xf32> to vector<8xf32>
    %broadcast_in_dim3A_666 = vector.shape_cast %reduce_max3A_665 : vector<8xf32> to vector<8x1xf32>
    %eq3A_667 = vector.broadcast %broadcast_in_dim3A_666 : vector<8x1xf32> to vector<8x197xf32>
    %eq3A_668 = arith.cmpf oeq, %select_n3A_663, %eq3A_667 : vector<8x197xf32>
    %jit3A_669 = arith.constant 1000000000 : i32
    %broadcast_in_dim3A_670 = vector.broadcast %jit3A_669 : i32 to vector<8x197xi32>
    %select_n3A_671 = arith.select %eq3A_668, %iota3A, %broadcast_in_dim3A_670 : vector<8x197xi1>, vector<8x197xi32>
    %reduce_min3A_672 = arith.constant dense<2147483647> : vector<8xi32>
    %reduce_min3A_673 = vector.multi_reduction <minsi>, %select_n3A_671, %reduce_min3A_672 [1] : vector<8x197xi32> to vector<8xi32>
    %broadcast_in_dim3A_674 = vector.shape_cast %reduce_min3A_673 : vector<8xi32> to vector<8x1xi32>
    %eq3A_675 = arith.constant 3 : i32
    %eq3A_676 = vector.broadcast %eq3A_675 : i32 to vector<8x8xi32>
    %eq3A_677 = arith.cmpi eq, %iota3A_569, %eq3A_676 : vector<8x8xi32>
    %broadcast_in_dim3A_678 = vector.shape_cast %broadcast_in_dim3A_666 : vector<8x1xf32> to vector<8x1xf32>
    %broadcast_in_dim3A_679 = vector.broadcast %broadcast_in_dim3A_678 : vector<8x1xf32> to vector<8x8xf32>
    %select_n3A_680 = arith.select %eq3A_677, %broadcast_in_dim3A_679, %select_n3A_649 : vector<8x8xi1>, vector<8x8xf32>
    %eq3A_681 = arith.constant 3 : i32
    %eq3A_682 = vector.broadcast %eq3A_681 : i32 to vector<8x8xi32>
    %eq3A_683 = arith.cmpi eq, %iota3A_569, %eq3A_682 : vector<8x8xi32>
    %sub3A_684 = arith.constant 1 : i32
    %sub3A_685 = vector.broadcast %sub3A_684 : i32 to vector<8x1xi32>
    %sub3A_686 = arith.subi %broadcast_in_dim3A_674, %sub3A_685 : vector<8x1xi32>
    %broadcast_in_dim3A_687 = vector.shape_cast %sub3A_686 : vector<8x1xi32> to vector<8x1xi32>
    %broadcast_in_dim3A_688 = vector.broadcast %broadcast_in_dim3A_687 : vector<8x1xi32> to vector<8x8xi32>
    %select_n3A_689 = arith.select %eq3A_683, %broadcast_in_dim3A_688, %select_n3A_658 : vector<8x8xi1>, vector<8x8xi32>
    %eq3A_690 = vector.broadcast %broadcast_in_dim3A_674 : vector<8x1xi32> to vector<8x197xi32>
    %eq3A_691 = arith.cmpi eq, %iota3A, %eq3A_690 : vector<8x197xi32>
    %jit3A_692 = arith.constant 0xFF800000 : f32
    %broadcast_in_dim3A_693 = vector.broadcast %jit3A_692 : f32 to vector<8x197xf32>
    %select_n3A_694 = arith.select %eq3A_691, %broadcast_in_dim3A_693, %select_n3A_663 : vector<8x197xi1>, vector<8x197xf32>
    %reduce_max3A_695 = arith.constant dense<0xFF800000> : vector<8xf32>
    %reduce_max3A_696 = vector.multi_reduction <maximumf>, %select_n3A_694, %reduce_max3A_695 [1] : vector<8x197xf32> to vector<8xf32>
    %broadcast_in_dim3A_697 = vector.shape_cast %reduce_max3A_696 : vector<8xf32> to vector<8x1xf32>
    %eq3A_698 = vector.broadcast %broadcast_in_dim3A_697 : vector<8x1xf32> to vector<8x197xf32>
    %eq3A_699 = arith.cmpf oeq, %select_n3A_694, %eq3A_698 : vector<8x197xf32>
    %jit3A_700 = arith.constant 1000000000 : i32
    %broadcast_in_dim3A_701 = vector.broadcast %jit3A_700 : i32 to vector<8x197xi32>
    %select_n3A_702 = arith.select %eq3A_699, %iota3A, %broadcast_in_dim3A_701 : vector<8x197xi1>, vector<8x197xi32>
    %reduce_min3A_703 = arith.constant dense<2147483647> : vector<8xi32>
    %reduce_min3A_704 = vector.multi_reduction <minsi>, %select_n3A_702, %reduce_min3A_703 [1] : vector<8x197xi32> to vector<8xi32>
    %broadcast_in_dim3A_705 = vector.shape_cast %reduce_min3A_704 : vector<8xi32> to vector<8x1xi32>
    %eq3A_706 = arith.constant 4 : i32
    %eq3A_707 = vector.broadcast %eq3A_706 : i32 to vector<8x8xi32>
    %eq3A_708 = arith.cmpi eq, %iota3A_569, %eq3A_707 : vector<8x8xi32>
    %broadcast_in_dim3A_709 = vector.shape_cast %broadcast_in_dim3A_697 : vector<8x1xf32> to vector<8x1xf32>
    %broadcast_in_dim3A_710 = vector.broadcast %broadcast_in_dim3A_709 : vector<8x1xf32> to vector<8x8xf32>
    %select_n3A_711 = arith.select %eq3A_708, %broadcast_in_dim3A_710, %select_n3A_680 : vector<8x8xi1>, vector<8x8xf32>
    %eq3A_712 = arith.constant 4 : i32
    %eq3A_713 = vector.broadcast %eq3A_712 : i32 to vector<8x8xi32>
    %eq3A_714 = arith.cmpi eq, %iota3A_569, %eq3A_713 : vector<8x8xi32>
    %sub3A_715 = arith.constant 1 : i32
    %sub3A_716 = vector.broadcast %sub3A_715 : i32 to vector<8x1xi32>
    %sub3A_717 = arith.subi %broadcast_in_dim3A_705, %sub3A_716 : vector<8x1xi32>
    %broadcast_in_dim3A_718 = vector.shape_cast %sub3A_717 : vector<8x1xi32> to vector<8x1xi32>
    %broadcast_in_dim3A_719 = vector.broadcast %broadcast_in_dim3A_718 : vector<8x1xi32> to vector<8x8xi32>
    %select_n3A_720 = arith.select %eq3A_714, %broadcast_in_dim3A_719, %select_n3A_689 : vector<8x8xi1>, vector<8x8xi32>
    %eq3A_721 = vector.broadcast %broadcast_in_dim3A_705 : vector<8x1xi32> to vector<8x197xi32>
    %eq3A_722 = arith.cmpi eq, %iota3A, %eq3A_721 : vector<8x197xi32>
    %jit3A_723 = arith.constant 0xFF800000 : f32
    %broadcast_in_dim3A_724 = vector.broadcast %jit3A_723 : f32 to vector<8x197xf32>
    %select_n3A_725 = arith.select %eq3A_722, %broadcast_in_dim3A_724, %select_n3A_694 : vector<8x197xi1>, vector<8x197xf32>
    %reduce_max3A_726 = arith.constant dense<0xFF800000> : vector<8xf32>
    %reduce_max3A_727 = vector.multi_reduction <maximumf>, %select_n3A_725, %reduce_max3A_726 [1] : vector<8x197xf32> to vector<8xf32>
    %broadcast_in_dim3A_728 = vector.shape_cast %reduce_max3A_727 : vector<8xf32> to vector<8x1xf32>
    %eq3A_729 = vector.broadcast %broadcast_in_dim3A_728 : vector<8x1xf32> to vector<8x197xf32>
    %eq3A_730 = arith.cmpf oeq, %select_n3A_725, %eq3A_729 : vector<8x197xf32>
    %jit3A_731 = arith.constant 1000000000 : i32
    %broadcast_in_dim3A_732 = vector.broadcast %jit3A_731 : i32 to vector<8x197xi32>
    %select_n3A_733 = arith.select %eq3A_730, %iota3A, %broadcast_in_dim3A_732 : vector<8x197xi1>, vector<8x197xi32>
    %reduce_min3A_734 = arith.constant dense<2147483647> : vector<8xi32>
    %reduce_min3A_735 = vector.multi_reduction <minsi>, %select_n3A_733, %reduce_min3A_734 [1] : vector<8x197xi32> to vector<8xi32>
    %broadcast_in_dim3A_736 = vector.shape_cast %reduce_min3A_735 : vector<8xi32> to vector<8x1xi32>
    %eq3A_737 = arith.constant 5 : i32
    %eq3A_738 = vector.broadcast %eq3A_737 : i32 to vector<8x8xi32>
    %eq3A_739 = arith.cmpi eq, %iota3A_569, %eq3A_738 : vector<8x8xi32>
    %broadcast_in_dim3A_740 = vector.shape_cast %broadcast_in_dim3A_728 : vector<8x1xf32> to vector<8x1xf32>
    %broadcast_in_dim3A_741 = vector.broadcast %broadcast_in_dim3A_740 : vector<8x1xf32> to vector<8x8xf32>
    %select_n3A_742 = arith.select %eq3A_739, %broadcast_in_dim3A_741, %select_n3A_711 : vector<8x8xi1>, vector<8x8xf32>
    %eq3A_743 = arith.constant 5 : i32
    %eq3A_744 = vector.broadcast %eq3A_743 : i32 to vector<8x8xi32>
    %eq3A_745 = arith.cmpi eq, %iota3A_569, %eq3A_744 : vector<8x8xi32>
    %sub3A_746 = arith.constant 1 : i32
    %sub3A_747 = vector.broadcast %sub3A_746 : i32 to vector<8x1xi32>
    %sub3A_748 = arith.subi %broadcast_in_dim3A_736, %sub3A_747 : vector<8x1xi32>
    %broadcast_in_dim3A_749 = vector.shape_cast %sub3A_748 : vector<8x1xi32> to vector<8x1xi32>
    %broadcast_in_dim3A_750 = vector.broadcast %broadcast_in_dim3A_749 : vector<8x1xi32> to vector<8x8xi32>
    %select_n3A_751 = arith.select %eq3A_745, %broadcast_in_dim3A_750, %select_n3A_720 : vector<8x8xi1>, vector<8x8xi32>
    %swap3A = arith.constant 0 : index
    %swap3A_752 = arith.constant 0 : index
    %swap3A_753 = arith.constant 0 : index
    %swap3A_754 = vector.load %arg2[%swap3A, %swap3A_752, %swap3A_753] : memref<1x8x8xf32, #tpu.memory_space<vmem>>, vector<1x8x8xf32>
    %swap3A_755 = vector.shape_cast %swap3A_754 : vector<1x8x8xf32> to vector<8x8xf32>
    %swap3A_756 = vector.shape_cast %select_n3A_742 : vector<8x8xf32> to vector<1x8x8xf32>
    tpu.vector_store %arg2[%swap3A, %swap3A_752, %swap3A_753], %swap3A_756 {strides = array<i32>} : memref<1x8x8xf32, #tpu.memory_space<vmem>>, vector<1x8x8xf32>,
    %swap3A_757 = arith.constant 0 : index
    %swap3A_758 = arith.constant 0 : index
    %swap3A_759 = arith.constant 0 : index
    %swap3A_760 = vector.load %arg3[%swap3A_757, %swap3A_758, %swap3A_759] : memref<1x8x8xi32, #tpu.memory_space<vmem>>, vector<1x8x8xi32>
    %swap3A_761 = vector.shape_cast %swap3A_760 : vector<1x8x8xi32> to vector<8x8xi32>
    %swap3A_762 = vector.shape_cast %select_n3A_751 : vector<8x8xi32> to vector<1x8x8xi32>
    tpu.vector_store %arg3[%swap3A_757, %swap3A_758, %swap3A_759], %swap3A_762 {strides = array<i32>} : memref<1x8x8xi32, #tpu.memory_space<vmem>>, vector<1x8x8xi32>,
    return
  }
  func.func @transform_0(%arg0: i32) -> (i32, i32, i32, i32) {
    %c0_i32 = arith.constant 0 : i32
    %c0_i32_0 = arith.constant 0 : i32
    %c0_i32_1 = arith.constant 0 : i32
    %c0_i32_2 = arith.constant 0 : i32
    return %c0_i32, %arg0, %c0_i32_0, %c0_i32_1 : i32, i32, i32, i32
  }
  func.func @transform_1(%arg0: i32) -> (i32, i32, i32) {
    %c0_i32 = arith.constant 0 : i32
    %c0_i32_0 = arith.constant 0 : i32
    %c0_i32_1 = arith.constant 0 : i32
    return %arg0, %c0_i32, %c0_i32_0 : i32, i32, i32
  }
  func.func @transform_2(%arg0: i32) -> (i32, i32, i32) {
    %c0_i32 = arith.constant 0 : i32
    %c0_i32_0 = arith.constant 0 : i32
    %c0_i32_1 = arith.constant 0 : i32
    return %arg0, %c0_i32, %c0_i32_0 : i32, i32, i32
  }
}

</mosaic_0001>

<sc_bundles>
// kernel: sparse-core-data-format-call.cloned.1.call-start
scs
called_computation_lowered:
.L_overlay_start_0:
0x0: {  	s1 =	sld [smem:$0x3FD9]  }
0x1: {  	s2 =	sld [smem:$0x3FFE];
	_ =	sdelay $0x1  }
0x2: {  	s3 =	srdreg.scid  }
0x3: {  	s0 =	sand.u32 $0x1, s3  }
0x4: {  	s17 =	sshll.u32 s0, $0xA;
	s1 =	sadd.s32 s2, s1  }
0x5: {  	s1 =	sadd.s32 s1, s17  }
0x6: {  	[smem:$0x3FC6] =	sst s1  }
0x7: {  	_ = 	snop  }
0x8: {  	(tm) =	ssettm $0x1  }
0x9: {  	s18 =	sld [smem:$0x3FFB];
	_ =	sdelay $0x3  }
0xa: {  	_ =	strace s18  }
0xb: {  	s1 =	sld [smem:$0x3FFC];
	_ =	sdelay $0x3  }
0xc: {  	_ =	strace s1  }
0xd: {  	s1 =	sld [smem:$0x3FFD];
	_ =	sdelay $0x3  }
0xe: {  	_ =	strace s1  }
0xf: {  	_ =	strace $0x8FFFFFFF  }
0x10: {  	s19 =	sld [smem:$0x3FDB];
	_ =	sdelay $0x1  }
0x11: {  	s20 =	simm.s32 $_scs_section_size  }
0x12: {  	s4 =	simm.s32 $_size__tile_overlayer_lowered;
	s5 =	simm.s32 $_tile_overlayer_lowered  }
0x13: {  	s23 =	simm.s32 $0x1BFF;
	s22 =	sshll.u32 s5, $0x1;
	s1 =	sadd.s32 s20, s19  }
0x14: {  	s6 =	simm.s32 $0x0;
	s21 =	sshll.u32 s4, $0x1;
	s4 =	sadd.s32 s22, s1  }
0x15: {  	[timem:s6], [sflag:s23] =	dma.local [hbm:s4], s21  }
0x16: {  	_ =	swait.ge [sflag:s23], s21  }
0x17: {  	s2 =	ssub.s32 $0x0, s21;
	[sflag:s23] =	ssyncset.done $0x0  }
0x18: {  	[sflag:s23] =	ssyncadd.s32 s2;
	_ =	sdelay $0x1  }
0x19: {  	s24 =	simm.s32 $0x1B8B  }
0x1a: {  	_ =	swait.ge [sflag:s24], $0x1  }
0x1b: {  	[sflag:s24] =	ssyncset.done $0x0  }
0x1c: {  	s26 =	simm.s32 $0x1B8E;
	s25 =	sld [smem:$0x3FFE];
	[sflag:s24] =	ssyncadd.s32 $0xFFFFFFFF  }
0x1d: {  	s27 =	simm.s32 $execute0_lowered;
	[smem:$0x3FD2] =	sst s26  }
0x1e: {  	s4 =	sshll.u32 s27, $0x1;
	_ =	strace $0x80000046;
	[dreg:$0x1] =	wrdreg $0xFFFFFFFF  }
0x1f: {  	s28 =	simm.s32 $_size_execute0_lowered;
	s1 =	sadd.s32 s1, s4;
	[dreg:$0x0] =	wrdreg $0x0  }
0x20: {  	s4 =	sshll.u32 s28, $0x1;
	[dreg:$0x2] =	wrdreg s1  }
0x21: {  	[dreg:$0x3] =	wrdreg s4  }
0x22: {  	[dreg:$0x4] =	wrdreg $0xC0  }
0x23: {  	_ =	task [dreg:s6], $0x5FFFF  }
0x24: {  	[dreg:$0x1] =	wrdreg $0xFFFFFFFF  }
0x25: {  	[dreg:$0x0] =	wrdreg $0x60  }
0x26: {  	[dreg:$0x2] =	wrdreg s25  }
0x27: {  	[dreg:$0x3] =	wrdreg $0x9  }
0x28: {  	_ =	task.clear_ibuf [dreg:s6], $0x4FFFF;
	_ =	strace $0x90000046  }
0x29: {  	s29 =	simm.s32 $0x9;
	_ =	strace $0x80000048  }
0x2a: {  	_ =	swait.ge [sflag:s29], $0x1  }
0x2b: {  	[sflag:s29] =	ssyncadd.s32 $0xFFFFFFFF  }
0x2c: {  	_ =	strace $0x90000048  }
0x2d: {  	_ =	sfence  }
0x2e: {  	s30 =	sld [smem:$0x0];
	_ =	sdelay $0x2  }
0x2f: {  	s31 =	sshll.u32 s3, $0xD;
	s3 =	sshrl.u32 s3, $0x2  }
0x30: {  	s2 =	sand.u32 $0x4000, s31;
	s1 =	sadd.s32 s3, s30  }
0x31: {  	s0 =	sor.u32 s2, s0;
	s1 =	sshll.u32 s1, $0x11  }
0x32: {  	s0 =	sor.u32 s1, s0  }
0x33: {  	s0 =	sadd.s32 $0x8F2B, s0  }
0x34: {  	[sflag:s0] =	ssyncadd.remote.s32 $0x1  }
0x35: {  	_ =	sfence.sel $0xFFFF  }
0x36: {  	[dreg:$0x0] =	wrdreg $0xFFFFFFFF;
	(pc) =	sbr.abs _section_cstart, $3  }
0x37: {  	[dreg:$0x1] =	wrdreg $0xFFFFFFFF  }
0x38: {  	_ =	task.clear_ibuf [dreg:s6], $0x2FFFF;
	_ =	strace $0x9FFFFFFF  }
0x39: {  	(tm) =	ssettm $0x7FFFFFFF  }
tec
execute0_lowered:
.L_overlay_start_1:
0x0: {  	(tag) =	ssettag $0x1  }
0x1: {  	s0 =	srdreg.scid;
	s4 =	rddreg [dreg:$0x0];
	s8 =	simm.s32 $0x2  }
0x2: {  	s14 =	simm.s32 $0x0;
	s10 =	simm.s32 $0x6400;
	s15 =	simm.s32 $0x0  }
0x3: {  	s16 =	simm.s32 $0x0;
	s11 =	simm.s32 $0x0;
	s1 =	sshll.u32 s0, $0x4  }
0x4: {  	s12 =	simm.s32 $0x0;
	s0 =	stileid.u32;
	s1 =	sand.u32 $0x10, s1  }
0x5: {  	s13 =	simm.s32 $0x0;
	s6 =	sor.u32 s0, s1;
	s1 =	rddreg [dreg:$0x1]  }
0x6: {  	_ =	strace $0x80000047;
	s2 =	sshll.u32 s6, $0x3;
	s3 =	sshll.u32 s6, $0x9  }
0x7: {  	s5 =	ssub.s32 $0xC5, s2;
	s7 =	sadd.s32 s3, s4;
	s3 =	simm.s32 $0x1  }
0x8: {  	s4 =	sadd.s32 $0x1BBA00, s4;
	s9 =	smax.u32 s2, $0xBD;
	p0 =	sgt.s32 s5, $0x0  }
.Ltmp0:
0x9: {  	[sflag:s3] =	ssyncpa.u1 $0x0;
	s5 =	simm.s32 @!p0 $0x0;
	(pc) =	sbr.rel .LBB1_1-.Ltmp0, $4  }
0xa: {  	s9 =	sshll.u32 s9, $0x9;
	s7 =	sadd.s32 $0x600, s7;
	s5 =	sand.u32 $0xFD, s5  }
0xb: {  	[sflag:s8] =	ssyncpa.u1 $0x0;
	p0 =	seq.s32 s5, $0x0;
	s5 =	simm.s32 $0x0  }
0xc: {  	s5 =	simm.s32 @!p0 $0x90;
	p0 =	sgt.u32 s6, $0x18;
	s6 =	ssub.s32 $0x18A00, s9  }
0xd: {  	s9 =	simm.s32 $0x400;
	s6 =	simm.s32 @p0 $0x0;
	s8 =	sor.u32 $0x1, s5  }
.LBB1_9:
0xe: {  	s17 =	sadd.s32 $0x1, s11  }
0xf: {  	s14 =	simm.s32 $0x1;
	p1 =	sgt.s32 s17, $0xB  }
0x10: {  	s14 =	simm.s32 @!p1 $0x0  }
0x11: {  	s19 =	sadd.s32 s14, s12  }
0x12: {  	s17 =	simm.s32 @p1 $0x0;
	p1 =	sgt.s32 s19, $0xB  }
0x13: {  	s19 =	simm.s32 @p1 $0x0;
	p1 =	sne.s32 s13, s8  }
.Ltmp1:
0x14: {  	p0 =	slt.u32 s13, $0x2;
	(pc) =	sbr.rel @!p1 .LBB1_10-.Ltmp1, $4  }
0x15: {  	s18 =	simm.s32 @!p0 $0x2  }
0x16: {  	s15 =	smov.u32 s11;
	s16 =	smov.u32 s12;
	_ =	swait.ge @!p0 [sflag:s18], $0x1000  }
0x17: {  	[sflag:s18] =	ssyncset.done @!p0 $0x0;
	s14 =	smov.u32 s2;
	s11 =	smov.u32 s17  }
0x18: {  	[sflag:s18] =	ssyncadd.s32 @!p0 $0xFFFFF000;
	s13 =	sadd.s32 $0x1, s13;
	s12 =	smov.u32 s19  }
.LBB1_1:
0x19: {  	p0 =	sge.u32 s13, s5  }
0x1a: {  	s17 =	smov.u32 s12;
	p1 =	sgt.s32 @!p0 s12, $0xB  }
0x1b: {  	s18 =	sshra.s32 @!p0 s12, $0x1F;
	s19 =	sshra.s32 @!p0 s11, $0x1F;
	p1 =	por !p1, p0  }
0x1c: {  	s18 =	sand.u32 @!p0 s18, s12;
	s17 =	simm.s32 @p1 $0xB;
	p1 =	sgt.s32 @!p0 s11, $0xB  }
0x1d: {  	s17 =	ssub.s32 @!p0 s17, s18;
	p1 =	por !p1, p0;
	s18 =	smov.u32 s11  }
0x1e: {  	s19 =	sand.u32 @!p0 s19, s11;
	s20 =	sadd.s32 @!p0 $0xFFFFFFF5, s17;
	s18 =	simm.s32 @p1 $0xB  }
0x1f: {  	p1 =	sgt.s32 @!p0 s20, $0x0;
	s18 =	ssub.s32 @!p0 s18, s19  }
0x20: {  	s17 =	ssub.s32 @!p0 $0xC, s17;
	p1 =	por !p1, p0;
	s19 =	sadd.s32 @!p0 $0xFFFFFFF5, s18  }
0x21: {  	s17 =	simm.s32 @!p1 $0x0;
	p1 =	sgt.s32 @!p0 s19, $0x0  }
0x22: {  	s18 =	ssub.s32 @!p0 $0xC, s18;
	p1 =	por !p1, p0;
	s17 =	smul.u32 @!p0 s17, s6  }
0x23: {  	s18 =	simm.s32 @!p1 $0x0  }
0x24: {  	s17 =	smul.u32 @!p0 s18, s17  }
0x25: {  	s19 =	sxor.u32 @!p0 $0xFFFFFFFF, s13;
	s18 =	smul.u32 @!p0 $0x24F00, s12  }
0x26: {  	s20 =	smul.u32 @!p0 $0x3140, s11;
	s19 =	sshll.u32 @!p0 s19, $0xC  }
0x27: {  	s31 =	sadd.s32 $0xFFFFFFFF, s13;
	s19 =	sand.u32 @!p0 $0x1000, s19;
	s18 =	sadd.s32 @!p0 s18, s7  }
0x28: {  	s17 =	sand.u32 @!p0 $0x3FFFFE00, s17;
	s18 =	sadd.s32 @!p0 s20, s18;
	s20 =	simm.s32 @!p0 $0x0  }
0x29: {  	[tilespmem:s19], [sflag:$0x1] =	stream.linear.gather @!p0 [hbm4b:s18+s20], s17, $0x38;
	[tilespmem:$0x4000] =	vst v63  }
0x2a: {  	p0 =	sge.u32 s31, s5  }
.Ltmp2:
0x2b: {  	_ = 	snop;
	(pc) =	sbr.rel @p0 .LBB1_9-.Ltmp2, $1  }
0x2c: {  	_ =	sdelay $0x3  }
0x2d: {  	p0 =	sgt.s32 s16, $0xB;
	s17 =	smov.u32 s16;
	s18 =	sshra.s32 s16, $0x1F  }
0x2e: {  	p1 =	sgt.s32 s15, $0xB;
	s17 =	simm.s32 @!p0 $0xB;
	s18 =	sand.u32 s18, s16  }
0x2f: {  	s19 =	sshra.s32 s15, $0x1F;
	s20 =	smov.u32 s14;
	s17 =	ssub.s32 s17, s18  }
0x30: {  	s19 =	sand.u32 s19, s15;
	s18 =	smov.u32 s15;
	s17 =	sadd.s32 $0xFFFFFFF5, s17  }
0x31: {  	s18 =	simm.s32 @!p1 $0xB;
	p1 =	sgt.s32 s14, $0xBD;
	p0 =	sgt.s32 s17, $0x0  }
0x32: {  	s18 =	ssub.s32 s18, s19;
	s20 =	simm.s32 @!p1 $0xBD;
	s17 =	sshll.u32 s17, $0x9  }
0x33: {  	p1 =	sgt.u32 s14, $0xC4;
	s19 =	ssub.s32 $0xC5, s20;
	s17 =	ssub.s32 $0x200, s17  }
0x34: {  	s30 =	sadd.s32 $0xFFFFFFF5, s18;
	s19 =	simm.s32 @p1 $0x0;
	s17 =	simm.s32 @p0 $0x0  }
0x35: {  	s18 =	ssub.s32 $0xC, s18;
	p0 =	sgt.s32 s30, $0x0;
	s17 =	smul.u32 s19, s17  }
0x36: {  	s18 =	simm.s32 @p0 $0x0  }
0x37: {  	s17 =	smul.u32 s18, s17;
	_ =	sdelay $0x1  }
0x38: {  	s17 =	sand.u32 $0x3FFFFE00, s17  }
0x39: {  	s31 =	sshll.u32 s13, $0xC;
	_ =	swait.ge [sflag:s3], s17  }
0x3a: {  	s18 =	sand.u32 $0x1000, s31;
	s17 =	ssub.s32 $0x0, s17;
	[sflag:s3] =	ssyncset.done $0x0  }
0x3b: {  	s19 =	simm.s32 $0x0;
	[sflag:s3] =	ssyncadd.s32 s17;
	s17 =	sor.u32 $0x2000, s18  }
.LBB1_3:
0x3c: {  	s20 =	sshll.u32 s19, $0x9  }
0x3d: {  	s20 =	sand.u32 $0x3FFFFE00, s20  }
0x3e: {  	s21 =	sadd.s32 s20, s18  }
0x3f: {  	s22 =	sadd.s32 $0x200, s21;
	v0 =	vmov s21  }
0x40: {  	v1 =	vmov s22  }
0x41: {  	p1 =	por $0x1, $0x1;
	s20 =	sshll.u32 s19, $0x7;
	s21 =	simm.s32 $0x0  }
.LBB1_4:
0x42: {  	s22 =	sshll.u32 s21, $0xA  }
0x43: {  	s22 =	sand.u32 $0x3FFFFC00, s22  }
0x44: {  	s23 =	sadd.s32 s22, s17  }
0x45: {  	p0 =	por p1, p1;
	s24 =	sadd.s32 $0x400, s23  }
0x46: {  	s21 =	sshll.u32 s21, $0x6;
	p1 =	por $0x1, $0x1;
	s22 =	simm.s32 $0x0;
	v2 =	vmov s23;
	v3 =	vmov s24  }
.LBB1_5:
0x47: {  	s23 =	sshll.u32 s22, $0x1  }
0x48: {  	s23 =	sor.u32 s21, s23  }
0x49: {  	v4 =	vld.idx.msk [tilespmem:v0+s23+$0x0 ss:$0x1], $0xffff  }
0x4a: {  	v5 =	vld.idx.msk [tilespmem:v1+s23+$0x0 ss:$0x1], $0xffff  }
0x4b: {  	v6 =	vld.idx.msk [tilespmem:v0+s23+$0x10 ss:$0x1], $0xffff  }
0x4c: {  	v7 =	vld.idx.msk [tilespmem:v1+s23+$0x10 ss:$0x1], $0xffff  }
0x4d: {  	v8 =	vld.idx.msk [tilespmem:v0+s23+$0x20 ss:$0x1], $0xffff  }
0x4e: {  	s31 =	sshll.u32 s22, $0x3;
	v9 =	vld.idx.msk [tilespmem:v1+s23+$0x20 ss:$0x1], $0xffff  }
0x4f: {  	s22 =	sadd.s32 s20, s31;
	v12 =	vld.idx.msk [tilespmem:v0+s23+$0x30 ss:$0x1], $0xffff;
	v10 =	vunpack.i.l.s16.s32 v4;
	v11 =	vunpack.i.l.s16.s32 v5  }
0x50: {  	s22 =	sshrl.u32 s22, $0x1;
	v45 =	vld.idx.msk [tilespmem:v1+s23+$0x30 ss:$0x1], $0xffff;
	v4 =	vunpack.i.u.s16.s32 v4;
	v5 =	vunpack.i.u.s16.s32 v5;
	v10 =	vpack.i.b32.b16 v11, v10  }
0x51: {  	v13 =	vld.idx.msk [tilespmem:v0+s23+$0x40 ss:$0x1], $0xffff;
	v46 =	vunpack.i.l.s16.s32 v7;
	v4 =	vpack.i.b32.b16 v5, v4;
	v5 =	vunpack.i.l.s16.s32 v6;
	[tilespmem:v2+s22+$0x0 ss:$0x1] =	vst.idx.msk $0xffff, v10  }
0x52: {  	v48 =	vld.idx.msk [tilespmem:v1+s23+$0x40 ss:$0x1], $0xffff;
	v47 =	vunpack.i.u.s16.s32 v7;
	v5 =	vpack.i.b32.b16 v46, v5;
	[tilespmem:v3+s22+$0x0 ss:$0x1] =	vst.idx.msk $0xffff, v4;
	v4 =	vunpack.i.u.s16.s32 v6  }
0x53: {  	v50 =	vld.idx.msk [tilespmem:v0+s23+$0x50 ss:$0x1], $0xffff;
	v49 =	vunpack.i.l.s16.s32 v9;
	[tilespmem:v2+s22+$0x10 ss:$0x1] =	vst.idx.msk $0xffff, v5;
	v5 =	vunpack.i.l.s16.s32 v8;
	v4 =	vpack.i.b32.b16 v47, v4  }
0x54: {  	v52 =	vld.idx.msk [tilespmem:v1+s23+$0x50 ss:$0x1], $0xffff;
	v51 =	vunpack.i.u.s16.s32 v9;
	v5 =	vpack.i.b32.b16 v49, v5;
	[tilespmem:v3+s22+$0x10 ss:$0x1] =	vst.idx.msk $0xffff, v4;
	v4 =	vunpack.i.u.s16.s32 v8  }
0x55: {  	v54 =	vld.idx.msk [tilespmem:v0+s23+$0x60 ss:$0x1], $0xffff;
	v53 =	vunpack.i.l.s16.s32 v45;
	[tilespmem:v2+s22+$0x20 ss:$0x1] =	vst.idx.msk $0xffff, v5;
	v5 =	vunpack.i.l.s16.s32 v12;
	v4 =	vpack.i.b32.b16 v51, v4  }
0x56: {  	v55 =	vld.idx.msk [tilespmem:v1+s23+$0x60 ss:$0x1], $0xffff;
	v11 =	vunpack.i.u.s16.s32 v45;
	v5 =	vpack.i.b32.b16 v53, v5;
	[tilespmem:v3+s22+$0x20 ss:$0x1] =	vst.idx.msk $0xffff, v4;
	v4 =	vunpack.i.u.s16.s32 v12  }
0x57: {  	v57 =	vld.idx.msk [tilespmem:v0+s23+$0x70 ss:$0x1], $0xffff;
	v56 =	vunpack.i.l.s16.s32 v48;
	[tilespmem:v2+s22+$0x30 ss:$0x1] =	vst.idx.msk $0xffff, v5;
	v5 =	vunpack.i.l.s16.s32 v13;
	v4 =	vpack.i.b32.b16 v11, v4  }
0x58: {  	v58 =	vld.idx.msk [tilespmem:v1+s23+$0x70 ss:$0x1], $0xffff;
	v7 =	vunpack.i.u.s16.s32 v48;
	v5 =	vpack.i.b32.b16 v56, v5;
	[tilespmem:v3+s22+$0x30 ss:$0x1] =	vst.idx.msk $0xffff, v4;
	v4 =	vunpack.i.u.s16.s32 v13  }
0x59: {  	v59 =	vunpack.i.l.s16.s32 v52;
	[tilespmem:v2+s22+$0x40 ss:$0x1] =	vst.idx.msk $0xffff, v5;
	v5 =	vunpack.i.l.s16.s32 v50;
	v4 =	vpack.i.b32.b16 v7, v4  }
0x5a: {  	v6 =	vunpack.i.u.s16.s32 v52;
	[tilespmem:v3+s22+$0x40 ss:$0x1] =	vst.idx.msk $0xffff, v4;
	v4 =	vpack.i.b32.b16 v59, v5;
	v5 =	vunpack.i.u.s16.s32 v50  }
0x5b: {  	p2 =	por p1, p1;
	v60 =	vunpack.i.l.s16.s32 v55;
	[tilespmem:v2+s22+$0x50 ss:$0x1] =	vst.idx.msk $0xffff, v4;
	v4 =	vpack.i.b32.b16 v6, v5;
	v5 =	vunpack.i.l.s16.s32 v54  }
.Ltmp3:
0x5c: {  	v61 =	vunpack.i.u.s16.s32 v55;
	[tilespmem:v3+s22+$0x50 ss:$0x1] =	vst.idx.msk $0xffff, v4;
	v4 =	vpack.i.b32.b16 v60, v5;
	v5 =	vunpack.i.u.s16.s32 v54;
	(pc) =	sbr.rel @p2 .LBB1_5-.Ltmp3, $4  }
0x5d: {  	v62 =	vunpack.i.l.s16.s32 v58;
	[tilespmem:v2+s22+$0x60 ss:$0x1] =	vst.idx.msk $0xffff, v4;
	v4 =	vpack.i.b32.b16 v61, v5;
	v5 =	vunpack.i.l.s16.s32 v57  }
0x5e: {  	v63 =	vunpack.i.u.s16.s32 v58;
	[tilespmem:v3+s22+$0x60 ss:$0x1] =	vst.idx.msk $0xffff, v4;
	v4 =	vunpack.i.u.s16.s32 v57;
	v5 =	vpack.i.b32.b16 v62, v5  }
0x5f: {  	[tilespmem:v2+s22+$0x70 ss:$0x1] =	vst.idx.msk $0xffff, v5;
	v4 =	vpack.i.b32.b16 v63, v4  }
0x60: {  	p1 =	por $0x0, $0x0;
	[tilespmem:v3+s22+$0x70 ss:$0x1] =	vst.idx.msk $0xffff, v4;
	s22 =	simm.s32 $0x80  }
.Ltmp4:
0x61: {  	(pc) =	sbr.rel @p0 .LBB1_4-.Ltmp4, $2  }
0x62: {  	_ =	sdelay $0x2  }
0x63: {  	s21 =	simm.s32 $0x2;
	p1 =	por $0x0, $0x0  }
0x64: {  	p0 =	slt.u32 s19, $0x6  }
.Ltmp5:
0x65: {  	_ = 	snop;
	(pc) =	sbr.rel @p0 .LBB1_3-.Ltmp5, $3  }
0x66: {  	_ =	sdelay $0x1  }
0x67: {  	s20 =	sadd.s32 $0x2, s19  }
0x68: {  	s19 =	smov.u32 s20  }
0x69: {  	s18 =	smulhi.u32 $0x51EB851F, s14  }
0x6a: {  	s16 =	smul.u32 $0x25800, s16  }
0x6b: {  	s15 =	smul.u32 $0x3200, s15;
	s18 =	sshrl.u32 s18, $0x6  }
0x6c: {  	s18 =	smul.u32 $0xC8, s18  }
.Ltmp6:
0x6d: {  	_ = 	snop;
	(pc) =	sbr.rel .LBB1_9-.Ltmp6, $4  }
0x6e: {  	s16 =	sadd.s32 s4, s16;
	s31 =	ssub.s32 s14, s18  }
0x6f: {  	s15 =	sadd.s32 s15, s16;
	s14 =	sshll.u32 s31, $0x4  }
0x70: {  	s14 =	sadd.s32 s14, s15  }
0x71: {  	[hbm4b:s14+s9] =	stream.strided.scatter [tilespmem:s17], [sflag:$0x2], $0x1000, s10, s9, $0x38;
	[tilespmem:$0x4000] =	vst v63  }
.LBB1_10:
0x72: {  	_ =	sfence.sel $0x180000  }
0x73: {  	s2 =	simm.s32 $0x1;
	[bflag:$0x0] =	sbarrier.arrive $0xFFFF  }
0x74: {  	s31 =	simm.s32 $0x2;
	[sflag:s2] =	ssyncpa.u1 $0x1  }
0x75: {  	[sflag:s31] =	ssyncpa.u1 $0x1  }
0x76: {  	p0 =	sne.s32 s0, $0x0;
	_ =	strace $0x90000047  }
0x77: {  	s0 =	sadd.s32 @!p0 $0x100000, s1;
	[bflag:$0x2] =	sbarrier.arrive $0xFFFF  }
0x78: {  	[sflag:s0] =	ssyncadd.tile.s32 @!p0 $0x1;
	_ =	shalt  }
.Lfunc_end1:
_tile_overlayer_lowered:
.L_overlay_start_2:
0x79: {  	(tag) =	ssettag $0x2  }
0x7a: {  	s0 =	rddreg [dreg:$0x0];
	s2 =	stileid.u32  }
0x7b: {  	s1 =	rddreg [dreg:$0x1];
	p0 =	sne.s32 s2, $0x0  }
0x7c: {  	s3 =	rddreg [dreg:$0x2];
	[bflag:$0x3] =	sbarrier.arrive $0xFFFF;
	s2 =	simm.s32 @!p0 $0x1C01  }
0x7d: {  	[timem:s3], [sflag:s2] =	dma.local @!p0 [hbm:s0], s1  }
0x7e: {  	s0 =	simm.s32 @!p0 $0x1  }
0x7f: {  	_ =	swait.ge @!p0 [sflag:s0], s1  }
0x80: {  	s1 =	ssub.s32 @!p0 $0x0, s1;
	[sflag:s0] =	ssyncset.done @!p0 $0x0  }
0x81: {  	[sflag:s0] =	ssyncadd.s32 @!p0 s1  }
0x82: {  	[bflag:$0x3] =	sbarrier.arrive $0xFFFF  }
0x83: {  	_ =	shalt  }

</sc_bundles>
